<compile_context>
chip_gen: v7x
topology: tpu7x:2x2x1
jax: 0.10.2.dev20260603
libtpu: 0.0.44.dev20260713+nightly
codegen_flags: <defaults>
</compile_context>

<pallas_src>
import functools

import jax
import jax.numpy as jnp
from jax import lax
from jax.experimental import pallas as pl
from jax.experimental.pallas import tpu as pltpu
from jax.experimental.pallas import tpu_sc as plsc

B, L, V, H, E = 4096, 200, 1000000, 64, 32

_NC, _NS = 2, 16
_NW = _NC * _NS
_BPW = B // _NW
_LP = 256
_HP = 128


def _acc_row(buf):
    zero = jnp.zeros((16,), jnp.float32)

    @pl.loop(0, L, init_carry=(zero, zero, zero, zero), unroll=8)
    def acc(j, carry):
        a0, a1, a2, a3 = carry
        a0 = a0 + buf[j, pl.ds(0, 16)]
        a1 = a1 + buf[j, pl.ds(16, 16)]
        a2 = a2 + buf[j, pl.ds(32, 16)]
        a3 = a3 + buf[j, pl.ds(48, 16)]
        return a0, a1, a2, a3

    return acc


def _sc_pool(x, table):
    mesh = plsc.VectorSubcoreMesh(core_axis_name="c", subcore_axis_name="s")
    inv_l = jnp.float32(1.0 / L)

    @functools.partial(
        pl.kernel,
        out_type=jax.ShapeDtypeStruct((B, H), jnp.float32),
        mesh=mesh,
        scratch_types=[
            pltpu.VMEM((_BPW, _LP), jnp.int32),
            pltpu.VMEM((L, _HP), jnp.float32),
            pltpu.VMEM((L, _HP), jnp.float32),
            pltpu.VMEM((L, _HP), jnp.float32),
            pltpu.VMEM((_BPW, H), jnp.float32),
            pltpu.SemaphoreType.DMA,
            pltpu.SemaphoreType.DMA,
            pltpu.SemaphoreType.DMA,
        ],
    )
    def pool(x_hbm, tbl_hbm, out_hbm, idx_v, buf0, buf1, buf2, out_v,
             sem0, sem1, sem2):
        wid = lax.axis_index("s") * _NC + lax.axis_index("c")

        pltpu.sync_copy(x_hbm.at[pl.ds(wid * _BPW, _BPW)], idx_v)

        def fire(row, buf, sem):
            pltpu.async_copy(
                tbl_hbm.at[idx_v.at[row, pl.ds(0, 128)]],
                buf.at[pl.ds(0, 128)], sem)
            pltpu.async_copy(
                tbl_hbm.at[idx_v.at[row, pl.ds(128, L - 128)]],
                buf.at[pl.ds(128, L - 128)], sem)

        def drain(buf, sem):
            pltpu.make_async_copy(tbl_hbm.at[pl.ds(0, L)], buf, sem).wait()

        def acc_store(row, buf):
            a0, a1, a2, a3 = _acc_row(buf)
            out_v[row, pl.ds(0, 16)] = a0 * inv_l
            out_v[row, pl.ds(16, 16)] = a1 * inv_l
            out_v[row, pl.ds(32, 16)] = a2 * inv_l
            out_v[row, pl.ds(48, 16)] = a3 * inv_l

        fire(0, buf0, sem0)
        fire(1, buf1, sem1)
        fire(2, buf2, sem2)

        @pl.loop(0, _BPW - 2, step=3)
        def steady(b):
            drain(buf0, sem0)
            acc_store(b, buf0)
            fire(b + 3, buf0, sem0)
            drain(buf1, sem1)
            acc_store(b + 1, buf1)
            fire(b + 4, buf1, sem1)
            drain(buf2, sem2)
            acc_store(b + 2, buf2)

            @pl.when(b + 5 < _BPW)
            def _():
                fire(b + 5, buf2, sem2)

        drain(buf0, sem0)
        acc_store(_BPW - 2, buf0)
        drain(buf1, sem1)
        acc_store(_BPW - 1, buf1)

        pltpu.sync_copy(out_v, out_hbm.at[pl.ds(wid * _BPW, _BPW)])

    return pool(x, table)


def _mlp_body(pooled_ref, w1_ref, b1_ref, gamma_ref, beta_ref, wout_ref,
              bout_ref, out_ref):
    h = jnp.dot(pooled_ref[...], w1_ref[...],
                preferred_element_type=jnp.float32) + b1_ref[...]
    mu = jnp.mean(h, axis=0, keepdims=True)
    var = jnp.mean((h - mu) * (h - mu), axis=0, keepdims=True)
    hn = (h - mu) * lax.rsqrt(var + 1e-5)
    hn = hn * gamma_ref[...] + beta_ref[...]
    hn = jnp.maximum(hn, 0.0)
    out_ref[...] = jnp.dot(hn, wout_ref[...],
                           preferred_element_type=jnp.float32) + bout_ref[...]


def kernel(x, table, W1, b1, gamma, beta, Wout, bout):
    xp = jnp.pad(x.astype(jnp.int32), ((0, 0), (0, _LP - L)))
    tp = jnp.dot(table, jnp.eye(H, _HP, dtype=jnp.float32),
                 preferred_element_type=jnp.float32)
    pooled = _sc_pool(xp, tp)
    return pl.pallas_call(
        _mlp_body,
        out_shape=jax.ShapeDtypeStruct((B, E), jnp.float32),
    )(pooled, W1, b1.reshape(1, H), gamma.reshape(1, H),
      beta.reshape(1, H), Wout, bout.reshape(1, E))

# --- scband reference (transcript-rebuilt; emitter-appended) ---
"""Pipeline reference for scband-bow-model-46316927320425 (READ-ONLY COPY).

The authoritative reference and input builder live on the scoring server;
editing this copy changes nothing except your own understanding.
"""

import jax, jax.numpy as jnp
import numpy as np

B, L, V, H, E = 4096, 200, 1000000, 64, 32

def setup_inputs(seed: int = 0) -> dict:
    key = jax.random.key(seed)
    ks = jax.random.split(key, 8)
    x = jax.random.randint(ks[0], (B, L), 0, V)
    table = jax.random.normal(ks[1], (V, H), dtype=jnp.float32) * 0.02
    W1 = jax.random.normal(ks[2], (H, H), dtype=jnp.float32) * 0.05
    b1 = jnp.zeros((H,), dtype=jnp.float32)
    gamma = jnp.ones((H,), dtype=jnp.float32)
    beta = jnp.zeros((H,), dtype=jnp.float32)
    Wout = jax.random.normal(ks[3], (H, E), dtype=jnp.float32) * 0.05
    bout = jnp.zeros((E,), dtype=jnp.float32)
    return {"x": x, "table": table, "W1": W1, "b1": b1, "gamma": gamma, "beta": beta, "Wout": Wout, "bout": bout}

def reference(x, table, W1, b1, gamma, beta, Wout, bout):
    # Embedding lookup (SparseCore gather): [B, L, H]
    emb = jnp.take(table, x, axis=0)
    # Bag-of-words mean pooling over sequence dim: [B, H]
    pooled = emb.mean(axis=1)
    # fc_hidden1: Linear -> BatchNorm1d (batch stats, deterministic) -> ReLU (dropout = identity)
    h = pooled @ W1 + b1
    mu = h.mean(axis=0)
    var = h.var(axis=0)
    hn = (h - mu) / jnp.sqrt(var + 1e-5)
    hn = hn * gamma + beta
    hn = jax.nn.relu(hn)
    # fc_output
    out = hn @ Wout + bout
    return out

if __name__ == "__main__":
    import jax
    _d = setup_inputs()
    print(jax.jit(kernel)(*tuple(_d.values())))

</pallas_src>

<mosaic_0001>
#map = affine_map<(d0, d1) -> (0, 0)>
#map1 = affine_map<(d0, d1) -> (0)>
module attributes {stable_mosaic.version = 14 : i64} {
  func.func @_rewritten_body(%arg0: i32, %arg1: i32, %arg2: memref<4096x256xi32, #tpu.memory_space<hbm>>, %arg3: memref<1000000x128xf32, #tpu.memory_space<hbm>>, %arg4: memref<1xf32, #tpu.memory_space<hbm>>, %arg5: memref<4096x64xf32, #tpu.memory_space<hbm>>, %arg6: memref<128x256xi32, #tpu.memory_space<vmem>>, %arg7: memref<200x128xf32, #tpu.memory_space<vmem>>, %arg8: memref<200x128xf32, #tpu.memory_space<vmem>>, %arg9: memref<200x128xf32, #tpu.memory_space<vmem>>, %arg10: memref<128x64xf32, #tpu.memory_space<vmem>>, %arg11: memref<!tpu.dma_semaphore, #tpu.memory_space<semaphore_mem>>, %arg12: memref<!tpu.dma_semaphore, #tpu.memory_space<semaphore_mem>>, %arg13: memref<!tpu.dma_semaphore, #tpu.memory_space<semaphore_mem>>) attributes {dimension_semantics = [#tpu.dimension_semantics<core_parallel>, #tpu.dimension_semantics<subcore_parallel>], iteration_bounds = array<i64: 2, 16>, scalar_prefetch = 0 : i64, scratch_operands = 8 : i64, tpu.core_type = #tpu.core_type<sc_vector_subcore>, window_params = [{transform_indices = #map}, {transform_indices = #map}, {transform_indices = #map1}, {transform_indices = #map}]} {
    %empty_ref3A = memref.alloca() : memref<16xf32, #tpu.memory_space<vmem>>
    "tpu.region"() ({
      %run_scoped3A = tpu.sem_alloc : memref<!tpu.dma_semaphore, #tpu.memory_space<semaphore_mem>>
      %dma_start3A_159 = arith.constant 0 : i32
      %dma_start3A_160 = tpu.memref_slice %empty_ref3A[%dma_start3A_159] : memref<16xf32, #tpu.memory_space<vmem>> -> memref<1xf32, #tpu.memory_space<vmem>>
      %dma_start3A_161 = arith.constant 0 : i32
      %dma_start3A_162 = tpu.memref_slice %empty_ref3A[%dma_start3A_161] : memref<16xf32, #tpu.memory_space<vmem>> -> memref<1xf32, #tpu.memory_space<vmem>>
      tpu.enqueue_dma source(%arg4 : memref<1xf32, #tpu.memory_space<hbm>>) target(%dma_start3A_162 : memref<1xf32, #tpu.memory_space<vmem>>) target_semaphore(%run_scoped3A : memref<!tpu.dma_semaphore, #tpu.memory_space<semaphore_mem>>)
      %dma_wait3A_163 = arith.constant 0 : i32
      %dma_wait3A_164 = tpu.memref_slice %empty_ref3A[%dma_wait3A_163] : memref<16xf32, #tpu.memory_space<vmem>> -> memref<1xf32, #tpu.memory_space<vmem>>
      %dma_wait3A_165 = arith.constant 0 : i32
      %dma_wait3A_166 = tpu.memref_slice %empty_ref3A[%dma_wait3A_165] : memref<16xf32, #tpu.memory_space<vmem>> -> memref<1xf32, #tpu.memory_space<vmem>>
      tpu.wait_dma2 semaphore(%run_scoped3A : memref<!tpu.dma_semaphore, #tpu.memory_space<semaphore_mem>>) src(%arg4 : memref<1xf32, #tpu.memory_space<hbm>>) dst(%dma_wait3A_166 : memref<1xf32, #tpu.memory_space<vmem>>)
      tpu.yield
    }) : () -> ()
    %get3A = arith.constant 0 : index
    %get3A_0 = tpu.vector_load %empty_ref3A[%get3A] {strides = array<i32>} : memref<16xf32, #tpu.memory_space<vmem>>, vector<16xf32>,
    %get3A_1 = vector.shape_cast %get3A_0 : vector<16xf32> to vector<16xf32>
    %slice3A = vector.extract_strided_slice %get3A_1 {offsets = [0], sizes = [1], strides = [1]} : vector<16xf32> to vector<1xf32>
    %squeeze3A = vector.extract %slice3A[0] : f32 from vector<1xf32>
    %mul3A = arith.constant 2 : i32
    %mul3A_2 = arith.muli %arg1, %mul3A : i32
    %add3A = arith.addi %mul3A_2, %arg0 : i32
    %mul3A_3 = arith.constant 128 : i32
    %mul3A_4 = arith.muli %add3A, %mul3A_3 : i32
    "tpu.region"() ({
      %run_scoped3A = tpu.sem_alloc : memref<!tpu.dma_semaphore, #tpu.memory_space<semaphore_mem>>
      %dma_start3A_159 = arith.constant 0 : i32
      %dma_start3A_160 = tpu.memref_slice %arg2[%mul3A_4, %dma_start3A_159] : memref<4096x256xi32, #tpu.memory_space<hbm>> -> memref<128x256xi32, #tpu.memory_space<hbm>>
      %dma_start3A_161 = arith.constant 0 : i32
      %dma_start3A_162 = tpu.memref_slice %arg2[%mul3A_4, %dma_start3A_161] : memref<4096x256xi32, #tpu.memory_space<hbm>> -> memref<128x256xi32, #tpu.memory_space<hbm>>
      tpu.enqueue_dma source(%dma_start3A_162 : memref<128x256xi32, #tpu.memory_space<hbm>>) target(%arg6 : memref<128x256xi32, #tpu.memory_space<vmem>>) target_semaphore(%run_scoped3A : memref<!tpu.dma_semaphore, #tpu.memory_space<semaphore_mem>>)
      %dma_wait3A_163 = arith.constant 0 : i32
      %dma_wait3A_164 = tpu.memref_slice %arg2[%mul3A_4, %dma_wait3A_163] : memref<4096x256xi32, #tpu.memory_space<hbm>> -> memref<128x256xi32, #tpu.memory_space<hbm>>
      %dma_wait3A_165 = arith.constant 0 : i32
      %dma_wait3A_166 = tpu.memref_slice %arg2[%mul3A_4, %dma_wait3A_165] : memref<4096x256xi32, #tpu.memory_space<hbm>> -> memref<128x256xi32, #tpu.memory_space<hbm>>
      tpu.wait_dma2 semaphore(%run_scoped3A : memref<!tpu.dma_semaphore, #tpu.memory_space<semaphore_mem>>) src(%dma_wait3A_166 : memref<128x256xi32, #tpu.memory_space<hbm>>) dst(%arg6 : memref<128x256xi32, #tpu.memory_space<vmem>>)
      tpu.yield
    }) : () -> ()
    %dma_start3A = arith.constant 0 : i32
    %dma_start3A_5 = arith.constant 0 : i32
    %dma_start3A_6 = arith.constant 0 : i32
    %dma_start3A_7 = tpu.memref_slice %arg7[%dma_start3A_5, %dma_start3A_6] : memref<200x128xf32, #tpu.memory_space<vmem>> -> memref<128x128xf32, #tpu.memory_space<vmem>>
    %dma_start3A_8 = arith.constant 0 : i32
    %dma_start3A_9 = tpu.memref_slice %arg6[%dma_start3A, %dma_start3A_8] : memref<128x256xi32, #tpu.memory_space<vmem>> -> memref<1x128xi32, #tpu.memory_space<vmem>>
    %dma_start3A_10 = tpu.memref_squeeze %dma_start3A_9 : memref<1x128xi32, #tpu.memory_space<vmem>> -> memref<128xi32, #tpu.memory_space<vmem>>
    %dma_start3A_11 = arith.constant 0 : i32
    %dma_start3A_12 = arith.constant 0 : i32
    %dma_start3A_13 = tpu.memref_slice %arg3[%dma_start3A_11, %dma_start3A_12] : memref<1000000x128xf32, #tpu.memory_space<hbm>> -> memref<1000000x128xf32, #tpu.memory_space<hbm>>
    tpu.enqueue_indirect_dma source(%dma_start3A_13 : memref<1000000x128xf32, #tpu.memory_space<hbm>>) target(%dma_start3A_7 : memref<128x128xf32, #tpu.memory_space<vmem>>) offsets(%dma_start3A_10 : memref<128xi32, #tpu.memory_space<vmem>>) semaphore(%arg11 : memref<!tpu.dma_semaphore, #tpu.memory_space<semaphore_mem>>)
    %dma_start3A_14 = arith.constant 0 : i32
    %dma_start3A_15 = arith.constant 128 : i32
    %dma_start3A_16 = arith.constant 0 : i32
    %dma_start3A_17 = tpu.memref_slice %arg7[%dma_start3A_15, %dma_start3A_16] : memref<200x128xf32, #tpu.memory_space<vmem>> -> memref<72x128xf32, #tpu.memory_space<vmem>>
    %dma_start3A_18 = arith.constant 128 : i32
    %dma_start3A_19 = tpu.memref_slice %arg6[%dma_start3A_14, %dma_start3A_18] : memref<128x256xi32, #tpu.memory_space<vmem>> -> memref<1x72xi32, #tpu.memory_space<vmem>>
    %dma_start3A_20 = tpu.memref_squeeze %dma_start3A_19 : memref<1x72xi32, #tpu.memory_space<vmem>> -> memref<72xi32, #tpu.memory_space<vmem>>
    %dma_start3A_21 = arith.constant 0 : i32
    %dma_start3A_22 = arith.constant 0 : i32
    %dma_start3A_23 = tpu.memref_slice %arg3[%dma_start3A_21, %dma_start3A_22] : memref<1000000x128xf32, #tpu.memory_space<hbm>> -> memref<1000000x128xf32, #tpu.memory_space<hbm>>
    tpu.enqueue_indirect_dma source(%dma_start3A_23 : memref<1000000x128xf32, #tpu.memory_space<hbm>>) target(%dma_start3A_17 : memref<72x128xf32, #tpu.memory_space<vmem>>) offsets(%dma_start3A_20 : memref<72xi32, #tpu.memory_space<vmem>>) semaphore(%arg11 : memref<!tpu.dma_semaphore, #tpu.memory_space<semaphore_mem>>)
    %dma_start3A_24 = arith.constant 1 : i32
    %dma_start3A_25 = arith.constant 0 : i32
    %dma_start3A_26 = arith.constant 0 : i32
    %dma_start3A_27 = tpu.memref_slice %arg8[%dma_start3A_25, %dma_start3A_26] : memref<200x128xf32, #tpu.memory_space<vmem>> -> memref<128x128xf32, #tpu.memory_space<vmem>>
    %dma_start3A_28 = arith.constant 0 : i32
    %dma_start3A_29 = tpu.memref_slice %arg6[%dma_start3A_24, %dma_start3A_28] : memref<128x256xi32, #tpu.memory_space<vmem>> -> memref<1x128xi32, #tpu.memory_space<vmem>>
    %dma_start3A_30 = tpu.memref_squeeze %dma_start3A_29 : memref<1x128xi32, #tpu.memory_space<vmem>> -> memref<128xi32, #tpu.memory_space<vmem>>
    %dma_start3A_31 = arith.constant 0 : i32
    %dma_start3A_32 = arith.constant 0 : i32
    %dma_start3A_33 = tpu.memref_slice %arg3[%dma_start3A_31, %dma_start3A_32] : memref<1000000x128xf32, #tpu.memory_space<hbm>> -> memref<1000000x128xf32, #tpu.memory_space<hbm>>
    tpu.enqueue_indirect_dma source(%dma_start3A_33 : memref<1000000x128xf32, #tpu.memory_space<hbm>>) target(%dma_start3A_27 : memref<128x128xf32, #tpu.memory_space<vmem>>) offsets(%dma_start3A_30 : memref<128xi32, #tpu.memory_space<vmem>>) semaphore(%arg12 : memref<!tpu.dma_semaphore, #tpu.memory_space<semaphore_mem>>)
    %dma_start3A_34 = arith.constant 1 : i32
    %dma_start3A_35 = arith.constant 128 : i32
    %dma_start3A_36 = arith.constant 0 : i32
    %dma_start3A_37 = tpu.memref_slice %arg8[%dma_start3A_35, %dma_start3A_36] : memref<200x128xf32, #tpu.memory_space<vmem>> -> memref<72x128xf32, #tpu.memory_space<vmem>>
    %dma_start3A_38 = arith.constant 128 : i32
    %dma_start3A_39 = tpu.memref_slice %arg6[%dma_start3A_34, %dma_start3A_38] : memref<128x256xi32, #tpu.memory_space<vmem>> -> memref<1x72xi32, #tpu.memory_space<vmem>>
    %dma_start3A_40 = tpu.memref_squeeze %dma_start3A_39 : memref<1x72xi32, #tpu.memory_space<vmem>> -> memref<72xi32, #tpu.memory_space<vmem>>
    %dma_start3A_41 = arith.constant 0 : i32
    %dma_start3A_42 = arith.constant 0 : i32
    %dma_start3A_43 = tpu.memref_slice %arg3[%dma_start3A_41, %dma_start3A_42] : memref<1000000x128xf32, #tpu.memory_space<hbm>> -> memref<1000000x128xf32, #tpu.memory_space<hbm>>
    tpu.enqueue_indirect_dma source(%dma_start3A_43 : memref<1000000x128xf32, #tpu.memory_space<hbm>>) target(%dma_start3A_37 : memref<72x128xf32, #tpu.memory_space<vmem>>) offsets(%dma_start3A_40 : memref<72xi32, #tpu.memory_space<vmem>>) semaphore(%arg12 : memref<!tpu.dma_semaphore, #tpu.memory_space<semaphore_mem>>)
    %dma_start3A_44 = arith.constant 2 : i32
    %dma_start3A_45 = arith.constant 0 : i32
    %dma_start3A_46 = arith.constant 0 : i32
    %dma_start3A_47 = tpu.memref_slice %arg9[%dma_start3A_45, %dma_start3A_46] : memref<200x128xf32, #tpu.memory_space<vmem>> -> memref<128x128xf32, #tpu.memory_space<vmem>>
    %dma_start3A_48 = arith.constant 0 : i32
    %dma_start3A_49 = tpu.memref_slice %arg6[%dma_start3A_44, %dma_start3A_48] : memref<128x256xi32, #tpu.memory_space<vmem>> -> memref<1x128xi32, #tpu.memory_space<vmem>>
    %dma_start3A_50 = tpu.memref_squeeze %dma_start3A_49 : memref<1x128xi32, #tpu.memory_space<vmem>> -> memref<128xi32, #tpu.memory_space<vmem>>
    %dma_start3A_51 = arith.constant 0 : i32
    %dma_start3A_52 = arith.constant 0 : i32
    %dma_start3A_53 = tpu.memref_slice %arg3[%dma_start3A_51, %dma_start3A_52] : memref<1000000x128xf32, #tpu.memory_space<hbm>> -> memref<1000000x128xf32, #tpu.memory_space<hbm>>
    tpu.enqueue_indirect_dma source(%dma_start3A_53 : memref<1000000x128xf32, #tpu.memory_space<hbm>>) target(%dma_start3A_47 : memref<128x128xf32, #tpu.memory_space<vmem>>) offsets(%dma_start3A_50 : memref<128xi32, #tpu.memory_space<vmem>>) semaphore(%arg13 : memref<!tpu.dma_semaphore, #tpu.memory_space<semaphore_mem>>)
    %dma_start3A_54 = arith.constant 2 : i32
    %dma_start3A_55 = arith.constant 128 : i32
    %dma_start3A_56 = arith.constant 0 : i32
    %dma_start3A_57 = tpu.memref_slice %arg9[%dma_start3A_55, %dma_start3A_56] : memref<200x128xf32, #tpu.memory_space<vmem>> -> memref<72x128xf32, #tpu.memory_space<vmem>>
    %dma_start3A_58 = arith.constant 128 : i32
    %dma_start3A_59 = tpu.memref_slice %arg6[%dma_start3A_54, %dma_start3A_58] : memref<128x256xi32, #tpu.memory_space<vmem>> -> memref<1x72xi32, #tpu.memory_space<vmem>>
    %dma_start3A_60 = tpu.memref_squeeze %dma_start3A_59 : memref<1x72xi32, #tpu.memory_space<vmem>> -> memref<72xi32, #tpu.memory_space<vmem>>
    %dma_start3A_61 = arith.constant 0 : i32
    %dma_start3A_62 = arith.constant 0 : i32
    %dma_start3A_63 = tpu.memref_slice %arg3[%dma_start3A_61, %dma_start3A_62] : memref<1000000x128xf32, #tpu.memory_space<hbm>> -> memref<1000000x128xf32, #tpu.memory_space<hbm>>
    tpu.enqueue_indirect_dma source(%dma_start3A_63 : memref<1000000x128xf32, #tpu.memory_space<hbm>>) target(%dma_start3A_57 : memref<72x128xf32, #tpu.memory_space<vmem>>) offsets(%dma_start3A_60 : memref<72xi32, #tpu.memory_space<vmem>>) semaphore(%arg13 : memref<!tpu.dma_semaphore, #tpu.memory_space<semaphore_mem>>)
    %scan3A = arith.constant 0 : i32
    %scan3A_64 = arith.constant 42 : i32
    %scan3A_65 = arith.addi %scan3A, %scan3A_64 : i32
    %scan3A_66 = arith.constant 1 : i32
    scf.for %scan3A_159 = %scan3A to %scan3A_65 step %scan3A_66  : i32 {
      %mul3A_160 = arith.constant 3 : i32
      %mul3A_161 = arith.muli %scan3A_159, %mul3A_160 : i32
      %add3A_162 = arith.constant 0 : i32
      %add3A_163 = arith.addi %add3A_162, %mul3A_161 : i32
      %dma_wait3A_164 = arith.constant 0 : i32
      %dma_wait3A_165 = arith.constant 0 : i32
      %dma_wait3A_166 = tpu.memref_slice %arg3[%dma_wait3A_164, %dma_wait3A_165] : memref<1000000x128xf32, #tpu.memory_space<hbm>> -> memref<200x128xf32, #tpu.memory_space<hbm>>
      %dma_wait3A_167 = arith.constant 0 : i32
      %dma_wait3A_168 = arith.constant 0 : i32
      %dma_wait3A_169 = tpu.memref_slice %arg3[%dma_wait3A_167, %dma_wait3A_168] : memref<1000000x128xf32, #tpu.memory_space<hbm>> -> memref<200x128xf32, #tpu.memory_space<hbm>>
      tpu.wait_dma2 semaphore(%arg11 : memref<!tpu.dma_semaphore, #tpu.memory_space<semaphore_mem>>) src(%dma_wait3A_169 : memref<200x128xf32, #tpu.memory_space<hbm>>) dst(%arg7 : memref<200x128xf32, #tpu.memory_space<vmem>>)
      %broadcast_in_dim3A_170 = arith.constant 0.000000e+00 : f32
      %broadcast_in_dim3A_171 = vector.broadcast %broadcast_in_dim3A_170 : f32 to vector<16xf32>
      %scan3A_172 = arith.constant 0 : i32
      %scan3A_173 = arith.constant 200 : i32
      %scan3A_174 = arith.addi %scan3A_172, %scan3A_173 : i32
      %scan3A_175 = arith.constant 8 : i32
      %scan3A_176:4 = scf.for %scan3A_338 = %scan3A_172 to %scan3A_174 step %scan3A_175 iter_args(%scan3A_339 = %broadcast_in_dim3A_171, %scan3A_340 = %broadcast_in_dim3A_171, %scan3A_341 = %broadcast_in_dim3A_171, %scan3A_342 = %broadcast_in_dim3A_171) -> (vector<16xf32>, vector<16xf32>, vector<16xf32>, vector<16xf32>)  : i32 {
        %mul3A_343 = arith.constant 1 : i32
        %mul3A_344 = arith.muli %scan3A_338, %mul3A_343 : i32
        %add3A_345 = arith.constant 0 : i32
        %add3A_346 = arith.addi %add3A_345, %mul3A_344 : i32
        %get3A_347 = arith.index_cast %add3A_346 : i32 to index
        %get3A_348 = arith.constant 0 : index
        %get3A_349 = tpu.vector_load %arg7[%get3A_347, %get3A_348] {strides = array<i32>} : memref<200x128xf32, #tpu.memory_space<vmem>>, vector<1x16xf32>,
        %get3A_350 = vector.shape_cast %get3A_349 : vector<1x16xf32> to vector<16xf32>
        %add3A_351 = arith.addf %scan3A_339, %get3A_350 : vector<16xf32>
        %get3A_352 = arith.index_cast %add3A_346 : i32 to index
        %get3A_353 = arith.constant 16 : index
        %get3A_354 = tpu.vector_load %arg7[%get3A_352, %get3A_353] {strides = array<i32>} : memref<200x128xf32, #tpu.memory_space<vmem>>, vector<1x16xf32>,
        %get3A_355 = vector.shape_cast %get3A_354 : vector<1x16xf32> to vector<16xf32>
        %add3A_356 = arith.addf %scan3A_340, %get3A_355 : vector<16xf32>
        %get3A_357 = arith.index_cast %add3A_346 : i32 to index
        %get3A_358 = arith.constant 32 : index
        %get3A_359 = tpu.vector_load %arg7[%get3A_357, %get3A_358] {strides = array<i32>} : memref<200x128xf32, #tpu.memory_space<vmem>>, vector<1x16xf32>,
        %get3A_360 = vector.shape_cast %get3A_359 : vector<1x16xf32> to vector<16xf32>
        %add3A_361 = arith.addf %scan3A_341, %get3A_360 : vector<16xf32>
        %get3A_362 = arith.index_cast %add3A_346 : i32 to index
        %get3A_363 = arith.constant 48 : index
        %get3A_364 = tpu.vector_load %arg7[%get3A_362, %get3A_363] {strides = array<i32>} : memref<200x128xf32, #tpu.memory_space<vmem>>, vector<1x16xf32>,
        %get3A_365 = vector.shape_cast %get3A_364 : vector<1x16xf32> to vector<16xf32>
        %add3A_366 = arith.addf %scan3A_342, %get3A_365 : vector<16xf32>
        %scan3A_367 = arith.constant 1 : i32
        %scan3A_368 = arith.addi %scan3A_338, %scan3A_367 : i32
        %mul3A_369 = arith.constant 1 : i32
        %mul3A_370 = arith.muli %scan3A_368, %mul3A_369 : i32
        %add3A_371 = arith.constant 0 : i32
        %add3A_372 = arith.addi %add3A_371, %mul3A_370 : i32
        %get3A_373 = arith.index_cast %add3A_372 : i32 to index
        %get3A_374 = arith.constant 0 : index
        %get3A_375 = tpu.vector_load %arg7[%get3A_373, %get3A_374] {strides = array<i32>} : memref<200x128xf32, #tpu.memory_space<vmem>>, vector<1x16xf32>,
        %get3A_376 = vector.shape_cast %get3A_375 : vector<1x16xf32> to vector<16xf32>
        %add3A_377 = arith.addf %add3A_351, %get3A_376 : vector<16xf32>
        %get3A_378 = arith.index_cast %add3A_372 : i32 to index
        %get3A_379 = arith.constant 16 : index
        %get3A_380 = tpu.vector_load %arg7[%get3A_378, %get3A_379] {strides = array<i32>} : memref<200x128xf32, #tpu.memory_space<vmem>>, vector<1x16xf32>,
        %get3A_381 = vector.shape_cast %get3A_380 : vector<1x16xf32> to vector<16xf32>
        %add3A_382 = arith.addf %add3A_356, %get3A_381 : vector<16xf32>
        %get3A_383 = arith.index_cast %add3A_372 : i32 to index
        %get3A_384 = arith.constant 32 : index
        %get3A_385 = tpu.vector_load %arg7[%get3A_383, %get3A_384] {strides = array<i32>} : memref<200x128xf32, #tpu.memory_space<vmem>>, vector<1x16xf32>,
        %get3A_386 = vector.shape_cast %get3A_385 : vector<1x16xf32> to vector<16xf32>
        %add3A_387 = arith.addf %add3A_361, %get3A_386 : vector<16xf32>
        %get3A_388 = arith.index_cast %add3A_372 : i32 to index
        %get3A_389 = arith.constant 48 : index
        %get3A_390 = tpu.vector_load %arg7[%get3A_388, %get3A_389] {strides = array<i32>} : memref<200x128xf32, #tpu.memory_space<vmem>>, vector<1x16xf32>,
        %get3A_391 = vector.shape_cast %get3A_390 : vector<1x16xf32> to vector<16xf32>
        %add3A_392 = arith.addf %add3A_366, %get3A_391 : vector<16xf32>
        %scan3A_393 = arith.constant 2 : i32
        %scan3A_394 = arith.addi %scan3A_338, %scan3A_393 : i32
        %mul3A_395 = arith.constant 1 : i32
        %mul3A_396 = arith.muli %scan3A_394, %mul3A_395 : i32
        %add3A_397 = arith.constant 0 : i32
        %add3A_398 = arith.addi %add3A_397, %mul3A_396 : i32
        %get3A_399 = arith.index_cast %add3A_398 : i32 to index
        %get3A_400 = arith.constant 0 : index
        %get3A_401 = tpu.vector_load %arg7[%get3A_399, %get3A_400] {strides = array<i32>} : memref<200x128xf32, #tpu.memory_space<vmem>>, vector<1x16xf32>,
        %get3A_402 = vector.shape_cast %get3A_401 : vector<1x16xf32> to vector<16xf32>
        %add3A_403 = arith.addf %add3A_377, %get3A_402 : vector<16xf32>
        %get3A_404 = arith.index_cast %add3A_398 : i32 to index
        %get3A_405 = arith.constant 16 : index
        %get3A_406 = tpu.vector_load %arg7[%get3A_404, %get3A_405] {strides = array<i32>} : memref<200x128xf32, #tpu.memory_space<vmem>>, vector<1x16xf32>,
        %get3A_407 = vector.shape_cast %get3A_406 : vector<1x16xf32> to vector<16xf32>
        %add3A_408 = arith.addf %add3A_382, %get3A_407 : vector<16xf32>
        %get3A_409 = arith.index_cast %add3A_398 : i32 to index
        %get3A_410 = arith.constant 32 : index
        %get3A_411 = tpu.vector_load %arg7[%get3A_409, %get3A_410] {strides = array<i32>} : memref<200x128xf32, #tpu.memory_space<vmem>>, vector<1x16xf32>,
        %get3A_412 = vector.shape_cast %get3A_411 : vector<1x16xf32> to vector<16xf32>
        %add3A_413 = arith.addf %add3A_387, %get3A_412 : vector<16xf32>
        %get3A_414 = arith.index_cast %add3A_398 : i32 to index
        %get3A_415 = arith.constant 48 : index
        %get3A_416 = tpu.vector_load %arg7[%get3A_414, %get3A_415] {strides = array<i32>} : memref<200x128xf32, #tpu.memory_space<vmem>>, vector<1x16xf32>,
        %get3A_417 = vector.shape_cast %get3A_416 : vector<1x16xf32> to vector<16xf32>
        %add3A_418 = arith.addf %add3A_392, %get3A_417 : vector<16xf32>
        %scan3A_419 = arith.constant 3 : i32
        %scan3A_420 = arith.addi %scan3A_338, %scan3A_419 : i32
        %mul3A_421 = arith.constant 1 : i32
        %mul3A_422 = arith.muli %scan3A_420, %mul3A_421 : i32
        %add3A_423 = arith.constant 0 : i32
        %add3A_424 = arith.addi %add3A_423, %mul3A_422 : i32
        %get3A_425 = arith.index_cast %add3A_424 : i32 to index
        %get3A_426 = arith.constant 0 : index
        %get3A_427 = tpu.vector_load %arg7[%get3A_425, %get3A_426] {strides = array<i32>} : memref<200x128xf32, #tpu.memory_space<vmem>>, vector<1x16xf32>,
        %get3A_428 = vector.shape_cast %get3A_427 : vector<1x16xf32> to vector<16xf32>
        %add3A_429 = arith.addf %add3A_403, %get3A_428 : vector<16xf32>
        %get3A_430 = arith.index_cast %add3A_424 : i32 to index
        %get3A_431 = arith.constant 16 : index
        %get3A_432 = tpu.vector_load %arg7[%get3A_430, %get3A_431] {strides = array<i32>} : memref<200x128xf32, #tpu.memory_space<vmem>>, vector<1x16xf32>,
        %get3A_433 = vector.shape_cast %get3A_432 : vector<1x16xf32> to vector<16xf32>
        %add3A_434 = arith.addf %add3A_408, %get3A_433 : vector<16xf32>
        %get3A_435 = arith.index_cast %add3A_424 : i32 to index
        %get3A_436 = arith.constant 32 : index
        %get3A_437 = tpu.vector_load %arg7[%get3A_435, %get3A_436] {strides = array<i32>} : memref<200x128xf32, #tpu.memory_space<vmem>>, vector<1x16xf32>,
        %get3A_438 = vector.shape_cast %get3A_437 : vector<1x16xf32> to vector<16xf32>
        %add3A_439 = arith.addf %add3A_413, %get3A_438 : vector<16xf32>
        %get3A_440 = arith.index_cast %add3A_424 : i32 to index
        %get3A_441 = arith.constant 48 : index
        %get3A_442 = tpu.vector_load %arg7[%get3A_440, %get3A_441] {strides = array<i32>} : memref<200x128xf32, #tpu.memory_space<vmem>>, vector<1x16xf32>,
        %get3A_443 = vector.shape_cast %get3A_442 : vector<1x16xf32> to vector<16xf32>
        %add3A_444 = arith.addf %add3A_418, %get3A_443 : vector<16xf32>
        %scan3A_445 = arith.constant 4 : i32
        %scan3A_446 = arith.addi %scan3A_338, %scan3A_445 : i32
        %mul3A_447 = arith.constant 1 : i32
        %mul3A_448 = arith.muli %scan3A_446, %mul3A_447 : i32
        %add3A_449 = arith.constant 0 : i32
        %add3A_450 = arith.addi %add3A_449, %mul3A_448 : i32
        %get3A_451 = arith.index_cast %add3A_450 : i32 to index
        %get3A_452 = arith.constant 0 : index
        %get3A_453 = tpu.vector_load %arg7[%get3A_451, %get3A_452] {strides = array<i32>} : memref<200x128xf32, #tpu.memory_space<vmem>>, vector<1x16xf32>,
        %get3A_454 = vector.shape_cast %get3A_453 : vector<1x16xf32> to vector<16xf32>
        %add3A_455 = arith.addf %add3A_429, %get3A_454 : vector<16xf32>
        %get3A_456 = arith.index_cast %add3A_450 : i32 to index
        %get3A_457 = arith.constant 16 : index
        %get3A_458 = tpu.vector_load %arg7[%get3A_456, %get3A_457] {strides = array<i32>} : memref<200x128xf32, #tpu.memory_space<vmem>>, vector<1x16xf32>,
        %get3A_459 = vector.shape_cast %get3A_458 : vector<1x16xf32> to vector<16xf32>
        %add3A_460 = arith.addf %add3A_434, %get3A_459 : vector<16xf32>
        %get3A_461 = arith.index_cast %add3A_450 : i32 to index
        %get3A_462 = arith.constant 32 : index
        %get3A_463 = tpu.vector_load %arg7[%get3A_461, %get3A_462] {strides = array<i32>} : memref<200x128xf32, #tpu.memory_space<vmem>>, vector<1x16xf32>,
        %get3A_464 = vector.shape_cast %get3A_463 : vector<1x16xf32> to vector<16xf32>
        %add3A_465 = arith.addf %add3A_439, %get3A_464 : vector<16xf32>
        %get3A_466 = arith.index_cast %add3A_450 : i32 to index
        %get3A_467 = arith.constant 48 : index
        %get3A_468 = tpu.vector_load %arg7[%get3A_466, %get3A_467] {strides = array<i32>} : memref<200x128xf32, #tpu.memory_space<vmem>>, vector<1x16xf32>,
        %get3A_469 = vector.shape_cast %get3A_468 : vector<1x16xf32> to vector<16xf32>
        %add3A_470 = arith.addf %add3A_444, %get3A_469 : vector<16xf32>
        %scan3A_471 = arith.constant 5 : i32
        %scan3A_472 = arith.addi %scan3A_338, %scan3A_471 : i32
        %mul3A_473 = arith.constant 1 : i32
        %mul3A_474 = arith.muli %scan3A_472, %mul3A_473 : i32
        %add3A_475 = arith.constant 0 : i32
        %add3A_476 = arith.addi %add3A_475, %mul3A_474 : i32
        %get3A_477 = arith.index_cast %add3A_476 : i32 to index
        %get3A_478 = arith.constant 0 : index
        %get3A_479 = tpu.vector_load %arg7[%get3A_477, %get3A_478] {strides = array<i32>} : memref<200x128xf32, #tpu.memory_space<vmem>>, vector<1x16xf32>,
        %get3A_480 = vector.shape_cast %get3A_479 : vector<1x16xf32> to vector<16xf32>
        %add3A_481 = arith.addf %add3A_455, %get3A_480 : vector<16xf32>
        %get3A_482 = arith.index_cast %add3A_476 : i32 to index
        %get3A_483 = arith.constant 16 : index
        %get3A_484 = tpu.vector_load %arg7[%get3A_482, %get3A_483] {strides = array<i32>} : memref<200x128xf32, #tpu.memory_space<vmem>>, vector<1x16xf32>,
        %get3A_485 = vector.shape_cast %get3A_484 : vector<1x16xf32> to vector<16xf32>
        %add3A_486 = arith.addf %add3A_460, %get3A_485 : vector<16xf32>
        %get3A_487 = arith.index_cast %add3A_476 : i32 to index
        %get3A_488 = arith.constant 32 : index
        %get3A_489 = tpu.vector_load %arg7[%get3A_487, %get3A_488] {strides = array<i32>} : memref<200x128xf32, #tpu.memory_space<vmem>>, vector<1x16xf32>,
        %get3A_490 = vector.shape_cast %get3A_489 : vector<1x16xf32> to vector<16xf32>
        %add3A_491 = arith.addf %add3A_465, %get3A_490 : vector<16xf32>
        %get3A_492 = arith.index_cast %add3A_476 : i32 to index
        %get3A_493 = arith.constant 48 : index
        %get3A_494 = tpu.vector_load %arg7[%get3A_492, %get3A_493] {strides = array<i32>} : memref<200x128xf32, #tpu.memory_space<vmem>>, vector<1x16xf32>,
        %get3A_495 = vector.shape_cast %get3A_494 : vector<1x16xf32> to vector<16xf32>
        %add3A_496 = arith.addf %add3A_470, %get3A_495 : vector<16xf32>
        %scan3A_497 = arith.constant 6 : i32
        %scan3A_498 = arith.addi %scan3A_338, %scan3A_497 : i32
        %mul3A_499 = arith.constant 1 : i32
        %mul3A_500 = arith.muli %scan3A_498, %mul3A_499 : i32
        %add3A_501 = arith.constant 0 : i32
        %add3A_502 = arith.addi %add3A_501, %mul3A_500 : i32
        %get3A_503 = arith.index_cast %add3A_502 : i32 to index
        %get3A_504 = arith.constant 0 : index
        %get3A_505 = tpu.vector_load %arg7[%get3A_503, %get3A_504] {strides = array<i32>} : memref<200x128xf32, #tpu.memory_space<vmem>>, vector<1x16xf32>,
        %get3A_506 = vector.shape_cast %get3A_505 : vector<1x16xf32> to vector<16xf32>
        %add3A_507 = arith.addf %add3A_481, %get3A_506 : vector<16xf32>
        %get3A_508 = arith.index_cast %add3A_502 : i32 to index
        %get3A_509 = arith.constant 16 : index
        %get3A_510 = tpu.vector_load %arg7[%get3A_508, %get3A_509] {strides = array<i32>} : memref<200x128xf32, #tpu.memory_space<vmem>>, vector<1x16xf32>,
        %get3A_511 = vector.shape_cast %get3A_510 : vector<1x16xf32> to vector<16xf32>
        %add3A_512 = arith.addf %add3A_486, %get3A_511 : vector<16xf32>
        %get3A_513 = arith.index_cast %add3A_502 : i32 to index
        %get3A_514 = arith.constant 32 : index
        %get3A_515 = tpu.vector_load %arg7[%get3A_513, %get3A_514] {strides = array<i32>} : memref<200x128xf32, #tpu.memory_space<vmem>>, vector<1x16xf32>,
        %get3A_516 = vector.shape_cast %get3A_515 : vector<1x16xf32> to vector<16xf32>
        %add3A_517 = arith.addf %add3A_491, %get3A_516 : vector<16xf32>
        %get3A_518 = arith.index_cast %add3A_502 : i32 to index
        %get3A_519 = arith.constant 48 : index
        %get3A_520 = tpu.vector_load %arg7[%get3A_518, %get3A_519] {strides = array<i32>} : memref<200x128xf32, #tpu.memory_space<vmem>>, vector<1x16xf32>,
        %get3A_521 = vector.shape_cast %get3A_520 : vector<1x16xf32> to vector<16xf32>
        %add3A_522 = arith.addf %add3A_496, %get3A_521 : vector<16xf32>
        %scan3A_523 = arith.constant 7 : i32
        %scan3A_524 = arith.addi %scan3A_338, %scan3A_523 : i32
        %mul3A_525 = arith.constant 1 : i32
        %mul3A_526 = arith.muli %scan3A_524, %mul3A_525 : i32
        %add3A_527 = arith.constant 0 : i32
        %add3A_528 = arith.addi %add3A_527, %mul3A_526 : i32
        %get3A_529 = arith.index_cast %add3A_528 : i32 to index
        %get3A_530 = arith.constant 0 : index
        %get3A_531 = tpu.vector_load %arg7[%get3A_529, %get3A_530] {strides = array<i32>} : memref<200x128xf32, #tpu.memory_space<vmem>>, vector<1x16xf32>,
        %get3A_532 = vector.shape_cast %get3A_531 : vector<1x16xf32> to vector<16xf32>
        %add3A_533 = arith.addf %add3A_507, %get3A_532 : vector<16xf32>
        %get3A_534 = arith.index_cast %add3A_528 : i32 to index
        %get3A_535 = arith.constant 16 : index
        %get3A_536 = tpu.vector_load %arg7[%get3A_534, %get3A_535] {strides = array<i32>} : memref<200x128xf32, #tpu.memory_space<vmem>>, vector<1x16xf32>,
        %get3A_537 = vector.shape_cast %get3A_536 : vector<1x16xf32> to vector<16xf32>
        %add3A_538 = arith.addf %add3A_512, %get3A_537 : vector<16xf32>
        %get3A_539 = arith.index_cast %add3A_528 : i32 to index
        %get3A_540 = arith.constant 32 : index
        %get3A_541 = tpu.vector_load %arg7[%get3A_539, %get3A_540] {strides = array<i32>} : memref<200x128xf32, #tpu.memory_space<vmem>>, vector<1x16xf32>,
        %get3A_542 = vector.shape_cast %get3A_541 : vector<1x16xf32> to vector<16xf32>
        %add3A_543 = arith.addf %add3A_517, %get3A_542 : vector<16xf32>
        %get3A_544 = arith.index_cast %add3A_528 : i32 to index
        %get3A_545 = arith.constant 48 : index
        %get3A_546 = tpu.vector_load %arg7[%get3A_544, %get3A_545] {strides = array<i32>} : memref<200x128xf32, #tpu.memory_space<vmem>>, vector<1x16xf32>,
        %get3A_547 = vector.shape_cast %get3A_546 : vector<1x16xf32> to vector<16xf32>
        %add3A_548 = arith.addf %add3A_522, %get3A_547 : vector<16xf32>
        scf.yield %add3A_533, %add3A_538, %add3A_543, %add3A_548 : vector<16xf32>, vector<16xf32>, vector<16xf32>, vector<16xf32>
      }
      %scan3A_177 = arith.constant 200 : i32
      %mul3A_178 = vector.broadcast %squeeze3A : f32 to vector<16xf32>
      %mul3A_179 = arith.mulf %scan3A_176#0, %mul3A_178 : vector<16xf32>
      %swap3A_180 = arith.index_cast %add3A_163 : i32 to index
      %swap3A_181 = arith.constant 0 : index
      %swap3A_182 = tpu.vector_load %arg10[%swap3A_180, %swap3A_181] {strides = array<i32>} : memref<128x64xf32, #tpu.memory_space<vmem>>, vector<1x16xf32>,
      %swap3A_183 = vector.shape_cast %swap3A_182 : vector<1x16xf32> to vector<16xf32>
      %swap3A_184 = vector.shape_cast %mul3A_179 : vector<16xf32> to vector<1x16xf32>
      tpu.vector_store %arg10[%swap3A_180, %swap3A_181], %swap3A_184 {strides = array<i32>} : memref<128x64xf32, #tpu.memory_space<vmem>>, vector<1x16xf32>,
      %mul3A_185 = vector.broadcast %squeeze3A : f32 to vector<16xf32>
      %mul3A_186 = arith.mulf %scan3A_176#1, %mul3A_185 : vector<16xf32>
      %swap3A_187 = arith.index_cast %add3A_163 : i32 to index
      %swap3A_188 = arith.constant 16 : index
      %swap3A_189 = tpu.vector_load %arg10[%swap3A_187, %swap3A_188] {strides = array<i32>} : memref<128x64xf32, #tpu.memory_space<vmem>>, vector<1x16xf32>,
      %swap3A_190 = vector.shape_cast %swap3A_189 : vector<1x16xf32> to vector<16xf32>
      %swap3A_191 = vector.shape_cast %mul3A_186 : vector<16xf32> to vector<1x16xf32>
      tpu.vector_store %arg10[%swap3A_187, %swap3A_188], %swap3A_191 {strides = array<i32>} : memref<128x64xf32, #tpu.memory_space<vmem>>, vector<1x16xf32>,
      %mul3A_192 = vector.broadcast %squeeze3A : f32 to vector<16xf32>
      %mul3A_193 = arith.mulf %scan3A_176#2, %mul3A_192 : vector<16xf32>
      %swap3A_194 = arith.index_cast %add3A_163 : i32 to index
      %swap3A_195 = arith.constant 32 : index
      %swap3A_196 = tpu.vector_load %arg10[%swap3A_194, %swap3A_195] {strides = array<i32>} : memref<128x64xf32, #tpu.memory_space<vmem>>, vector<1x16xf32>,
      %swap3A_197 = vector.shape_cast %swap3A_196 : vector<1x16xf32> to vector<16xf32>
      %swap3A_198 = vector.shape_cast %mul3A_193 : vector<16xf32> to vector<1x16xf32>
      tpu.vector_store %arg10[%swap3A_194, %swap3A_195], %swap3A_198 {strides = array<i32>} : memref<128x64xf32, #tpu.memory_space<vmem>>, vector<1x16xf32>,
      %mul3A_199 = vector.broadcast %squeeze3A : f32 to vector<16xf32>
      %mul3A_200 = arith.mulf %scan3A_176#3, %mul3A_199 : vector<16xf32>
      %swap3A_201 = arith.index_cast %add3A_163 : i32 to index
      %swap3A_202 = arith.constant 48 : index
      %swap3A_203 = tpu.vector_load %arg10[%swap3A_201, %swap3A_202] {strides = array<i32>} : memref<128x64xf32, #tpu.memory_space<vmem>>, vector<1x16xf32>,
      %swap3A_204 = vector.shape_cast %swap3A_203 : vector<1x16xf32> to vector<16xf32>
      %swap3A_205 = vector.shape_cast %mul3A_200 : vector<16xf32> to vector<1x16xf32>
      tpu.vector_store %arg10[%swap3A_201, %swap3A_202], %swap3A_205 {strides = array<i32>} : memref<128x64xf32, #tpu.memory_space<vmem>>, vector<1x16xf32>,
      %add3A_206 = arith.constant 3 : i32
      %add3A_207 = arith.addi %add3A_163, %add3A_206 : i32
      %dma_start3A_208 = arith.constant 0 : i32
      %dma_start3A_209 = arith.constant 0 : i32
      %dma_start3A_210 = tpu.memref_slice %arg7[%dma_start3A_208, %dma_start3A_209] : memref<200x128xf32, #tpu.memory_space<vmem>> -> memref<128x128xf32, #tpu.memory_space<vmem>>
      %dma_start3A_211 = arith.constant 0 : i32
      %dma_start3A_212 = tpu.memref_slice %arg6[%add3A_207, %dma_start3A_211] : memref<128x256xi32, #tpu.memory_space<vmem>> -> memref<1x128xi32, #tpu.memory_space<vmem>>
      %dma_start3A_213 = tpu.memref_squeeze %dma_start3A_212 : memref<1x128xi32, #tpu.memory_space<vmem>> -> memref<128xi32, #tpu.memory_space<vmem>>
      %dma_start3A_214 = arith.constant 0 : i32
      %dma_start3A_215 = arith.constant 0 : i32
      %dma_start3A_216 = tpu.memref_slice %arg3[%dma_start3A_214, %dma_start3A_215] : memref<1000000x128xf32, #tpu.memory_space<hbm>> -> memref<1000000x128xf32, #tpu.memory_space<hbm>>
      tpu.enqueue_indirect_dma source(%dma_start3A_216 : memref<1000000x128xf32, #tpu.memory_space<hbm>>) target(%dma_start3A_210 : memref<128x128xf32, #tpu.memory_space<vmem>>) offsets(%dma_start3A_213 : memref<128xi32, #tpu.memory_space<vmem>>) semaphore(%arg11 : memref<!tpu.dma_semaphore, #tpu.memory_space<semaphore_mem>>)
      %dma_start3A_217 = arith.constant 128 : i32
      %dma_start3A_218 = arith.constant 0 : i32
      %dma_start3A_219 = tpu.memref_slice %arg7[%dma_start3A_217, %dma_start3A_218] : memref<200x128xf32, #tpu.memory_space<vmem>> -> memref<72x128xf32, #tpu.memory_space<vmem>>
      %dma_start3A_220 = arith.constant 128 : i32
      %dma_start3A_221 = tpu.memref_slice %arg6[%add3A_207, %dma_start3A_220] : memref<128x256xi32, #tpu.memory_space<vmem>> -> memref<1x72xi32, #tpu.memory_space<vmem>>
      %dma_start3A_222 = tpu.memref_squeeze %dma_start3A_221 : memref<1x72xi32, #tpu.memory_space<vmem>> -> memref<72xi32, #tpu.memory_space<vmem>>
      %dma_start3A_223 = arith.constant 0 : i32
      %dma_start3A_224 = arith.constant 0 : i32
      %dma_start3A_225 = tpu.memref_slice %arg3[%dma_start3A_223, %dma_start3A_224] : memref<1000000x128xf32, #tpu.memory_space<hbm>> -> memref<1000000x128xf32, #tpu.memory_space<hbm>>
      tpu.enqueue_indirect_dma source(%dma_start3A_225 : memref<1000000x128xf32, #tpu.memory_space<hbm>>) target(%dma_start3A_219 : memref<72x128xf32, #tpu.memory_space<vmem>>) offsets(%dma_start3A_222 : memref<72xi32, #tpu.memory_space<vmem>>) semaphore(%arg11 : memref<!tpu.dma_semaphore, #tpu.memory_space<semaphore_mem>>)
      %dma_wait3A_226 = arith.constant 0 : i32
      %dma_wait3A_227 = arith.constant 0 : i32
      %dma_wait3A_228 = tpu.memref_slice %arg3[%dma_wait3A_226, %dma_wait3A_227] : memref<1000000x128xf32, #tpu.memory_space<hbm>> -> memref<200x128xf32, #tpu.memory_space<hbm>>
      %dma_wait3A_229 = arith.constant 0 : i32
      %dma_wait3A_230 = arith.constant 0 : i32
      %dma_wait3A_231 = tpu.memref_slice %arg3[%dma_wait3A_229, %dma_wait3A_230] : memref<1000000x128xf32, #tpu.memory_space<hbm>> -> memref<200x128xf32, #tpu.memory_space<hbm>>
      tpu.wait_dma2 semaphore(%arg12 : memref<!tpu.dma_semaphore, #tpu.memory_space<semaphore_mem>>) src(%dma_wait3A_231 : memref<200x128xf32, #tpu.memory_space<hbm>>) dst(%arg8 : memref<200x128xf32, #tpu.memory_space<vmem>>)
      %add3A_232 = arith.constant 1 : i32
      %add3A_233 = arith.addi %add3A_163, %add3A_232 : i32
      %broadcast_in_dim3A_234 = arith.constant 0.000000e+00 : f32
      %broadcast_in_dim3A_235 = vector.broadcast %broadcast_in_dim3A_234 : f32 to vector<16xf32>
      %scan3A_236 = arith.constant 0 : i32
      %scan3A_237 = arith.constant 200 : i32
      %scan3A_238 = arith.addi %scan3A_236, %scan3A_237 : i32
      %scan3A_239 = arith.constant 8 : i32
      %scan3A_240:4 = scf.for %scan3A_338 = %scan3A_236 to %scan3A_238 step %scan3A_239 iter_args(%scan3A_339 = %broadcast_in_dim3A_235, %scan3A_340 = %broadcast_in_dim3A_235, %scan3A_341 = %broadcast_in_dim3A_235, %scan3A_342 = %broadcast_in_dim3A_235) -> (vector<16xf32>, vector<16xf32>, vector<16xf32>, vector<16xf32>)  : i32 {
        %mul3A_343 = arith.constant 1 : i32
        %mul3A_344 = arith.muli %scan3A_338, %mul3A_343 : i32
        %add3A_345 = arith.constant 0 : i32
        %add3A_346 = arith.addi %add3A_345, %mul3A_344 : i32
        %get3A_347 = arith.index_cast %add3A_346 : i32 to index
        %get3A_348 = arith.constant 0 : index
        %get3A_349 = tpu.vector_load %arg8[%get3A_347, %get3A_348] {strides = array<i32>} : memref<200x128xf32, #tpu.memory_space<vmem>>, vector<1x16xf32>,
        %get3A_350 = vector.shape_cast %get3A_349 : vector<1x16xf32> to vector<16xf32>
        %add3A_351 = arith.addf %scan3A_339, %get3A_350 : vector<16xf32>
        %get3A_352 = arith.index_cast %add3A_346 : i32 to index
        %get3A_353 = arith.constant 16 : index
        %get3A_354 = tpu.vector_load %arg8[%get3A_352, %get3A_353] {strides = array<i32>} : memref<200x128xf32, #tpu.memory_space<vmem>>, vector<1x16xf32>,
        %get3A_355 = vector.shape_cast %get3A_354 : vector<1x16xf32> to vector<16xf32>
        %add3A_356 = arith.addf %scan3A_340, %get3A_355 : vector<16xf32>
        %get3A_357 = arith.index_cast %add3A_346 : i32 to index
        %get3A_358 = arith.constant 32 : index
        %get3A_359 = tpu.vector_load %arg8[%get3A_357, %get3A_358] {strides = array<i32>} : memref<200x128xf32, #tpu.memory_space<vmem>>, vector<1x16xf32>,
        %get3A_360 = vector.shape_cast %get3A_359 : vector<1x16xf32> to vector<16xf32>
        %add3A_361 = arith.addf %scan3A_341, %get3A_360 : vector<16xf32>
        %get3A_362 = arith.index_cast %add3A_346 : i32 to index
        %get3A_363 = arith.constant 48 : index
        %get3A_364 = tpu.vector_load %arg8[%get3A_362, %get3A_363] {strides = array<i32>} : memref<200x128xf32, #tpu.memory_space<vmem>>, vector<1x16xf32>,
        %get3A_365 = vector.shape_cast %get3A_364 : vector<1x16xf32> to vector<16xf32>
        %add3A_366 = arith.addf %scan3A_342, %get3A_365 : vector<16xf32>
        %scan3A_367 = arith.constant 1 : i32
        %scan3A_368 = arith.addi %scan3A_338, %scan3A_367 : i32
        %mul3A_369 = arith.constant 1 : i32
        %mul3A_370 = arith.muli %scan3A_368, %mul3A_369 : i32
        %add3A_371 = arith.constant 0 : i32
        %add3A_372 = arith.addi %add3A_371, %mul3A_370 : i32
        %get3A_373 = arith.index_cast %add3A_372 : i32 to index
        %get3A_374 = arith.constant 0 : index
        %get3A_375 = tpu.vector_load %arg8[%get3A_373, %get3A_374] {strides = array<i32>} : memref<200x128xf32, #tpu.memory_space<vmem>>, vector<1x16xf32>,
        %get3A_376 = vector.shape_cast %get3A_375 : vector<1x16xf32> to vector<16xf32>
        %add3A_377 = arith.addf %add3A_351, %get3A_376 : vector<16xf32>
        %get3A_378 = arith.index_cast %add3A_372 : i32 to index
        %get3A_379 = arith.constant 16 : index
        %get3A_380 = tpu.vector_load %arg8[%get3A_378, %get3A_379] {strides = array<i32>} : memref<200x128xf32, #tpu.memory_space<vmem>>, vector<1x16xf32>,
        %get3A_381 = vector.shape_cast %get3A_380 : vector<1x16xf32> to vector<16xf32>
        %add3A_382 = arith.addf %add3A_356, %get3A_381 : vector<16xf32>
        %get3A_383 = arith.index_cast %add3A_372 : i32 to index
        %get3A_384 = arith.constant 32 : index
        %get3A_385 = tpu.vector_load %arg8[%get3A_383, %get3A_384] {strides = array<i32>} : memref<200x128xf32, #tpu.memory_space<vmem>>, vector<1x16xf32>,
        %get3A_386 = vector.shape_cast %get3A_385 : vector<1x16xf32> to vector<16xf32>
        %add3A_387 = arith.addf %add3A_361, %get3A_386 : vector<16xf32>
        %get3A_388 = arith.index_cast %add3A_372 : i32 to index
        %get3A_389 = arith.constant 48 : index
        %get3A_390 = tpu.vector_load %arg8[%get3A_388, %get3A_389] {strides = array<i32>} : memref<200x128xf32, #tpu.memory_space<vmem>>, vector<1x16xf32>,
        %get3A_391 = vector.shape_cast %get3A_390 : vector<1x16xf32> to vector<16xf32>
        %add3A_392 = arith.addf %add3A_366, %get3A_391 : vector<16xf32>
        %scan3A_393 = arith.constant 2 : i32
        %scan3A_394 = arith.addi %scan3A_338, %scan3A_393 : i32
        %mul3A_395 = arith.constant 1 : i32
        %mul3A_396 = arith.muli %scan3A_394, %mul3A_395 : i32
        %add3A_397 = arith.constant 0 : i32
        %add3A_398 = arith.addi %add3A_397, %mul3A_396 : i32
        %get3A_399 = arith.index_cast %add3A_398 : i32 to index
        %get3A_400 = arith.constant 0 : index
        %get3A_401 = tpu.vector_load %arg8[%get3A_399, %get3A_400] {strides = array<i32>} : memref<200x128xf32, #tpu.memory_space<vmem>>, vector<1x16xf32>,
        %get3A_402 = vector.shape_cast %get3A_401 : vector<1x16xf32> to vector<16xf32>
        %add3A_403 = arith.addf %add3A_377, %get3A_402 : vector<16xf32>
        %get3A_404 = arith.index_cast %add3A_398 : i32 to index
        %get3A_405 = arith.constant 16 : index
        %get3A_406 = tpu.vector_load %arg8[%get3A_404, %get3A_405] {strides = array<i32>} : memref<200x128xf32, #tpu.memory_space<vmem>>, vector<1x16xf32>,
        %get3A_407 = vector.shape_cast %get3A_406 : vector<1x16xf32> to vector<16xf32>
        %add3A_408 = arith.addf %add3A_382, %get3A_407 : vector<16xf32>
        %get3A_409 = arith.index_cast %add3A_398 : i32 to index
        %get3A_410 = arith.constant 32 : index
        %get3A_411 = tpu.vector_load %arg8[%get3A_409, %get3A_410] {strides = array<i32>} : memref<200x128xf32, #tpu.memory_space<vmem>>, vector<1x16xf32>,
        %get3A_412 = vector.shape_cast %get3A_411 : vector<1x16xf32> to vector<16xf32>
        %add3A_413 = arith.addf %add3A_387, %get3A_412 : vector<16xf32>
        %get3A_414 = arith.index_cast %add3A_398 : i32 to index
        %get3A_415 = arith.constant 48 : index
        %get3A_416 = tpu.vector_load %arg8[%get3A_414, %get3A_415] {strides = array<i32>} : memref<200x128xf32, #tpu.memory_space<vmem>>, vector<1x16xf32>,
        %get3A_417 = vector.shape_cast %get3A_416 : vector<1x16xf32> to vector<16xf32>
        %add3A_418 = arith.addf %add3A_392, %get3A_417 : vector<16xf32>
        %scan3A_419 = arith.constant 3 : i32
        %scan3A_420 = arith.addi %scan3A_338, %scan3A_419 : i32
        %mul3A_421 = arith.constant 1 : i32
        %mul3A_422 = arith.muli %scan3A_420, %mul3A_421 : i32
        %add3A_423 = arith.constant 0 : i32
        %add3A_424 = arith.addi %add3A_423, %mul3A_422 : i32
        %get3A_425 = arith.index_cast %add3A_424 : i32 to index
        %get3A_426 = arith.constant 0 : index
        %get3A_427 = tpu.vector_load %arg8[%get3A_425, %get3A_426] {strides = array<i32>} : memref<200x128xf32, #tpu.memory_space<vmem>>, vector<1x16xf32>,
        %get3A_428 = vector.shape_cast %get3A_427 : vector<1x16xf32> to vector<16xf32>
        %add3A_429 = arith.addf %add3A_403, %get3A_428 : vector<16xf32>
        %get3A_430 = arith.index_cast %add3A_424 : i32 to index
        %get3A_431 = arith.constant 16 : index
        %get3A_432 = tpu.vector_load %arg8[%get3A_430, %get3A_431] {strides = array<i32>} : memref<200x128xf32, #tpu.memory_space<vmem>>, vector<1x16xf32>,
        %get3A_433 = vector.shape_cast %get3A_432 : vector<1x16xf32> to vector<16xf32>
        %add3A_434 = arith.addf %add3A_408, %get3A_433 : vector<16xf32>
        %get3A_435 = arith.index_cast %add3A_424 : i32 to index
        %get3A_436 = arith.constant 32 : index
        %get3A_437 = tpu.vector_load %arg8[%get3A_435, %get3A_436] {strides = array<i32>} : memref<200x128xf32, #tpu.memory_space<vmem>>, vector<1x16xf32>,
        %get3A_438 = vector.shape_cast %get3A_437 : vector<1x16xf32> to vector<16xf32>
        %add3A_439 = arith.addf %add3A_413, %get3A_438 : vector<16xf32>
        %get3A_440 = arith.index_cast %add3A_424 : i32 to index
        %get3A_441 = arith.constant 48 : index
        %get3A_442 = tpu.vector_load %arg8[%get3A_440, %get3A_441] {strides = array<i32>} : memref<200x128xf32, #tpu.memory_space<vmem>>, vector<1x16xf32>,
        %get3A_443 = vector.shape_cast %get3A_442 : vector<1x16xf32> to vector<16xf32>
        %add3A_444 = arith.addf %add3A_418, %get3A_443 : vector<16xf32>
        %scan3A_445 = arith.constant 4 : i32
        %scan3A_446 = arith.addi %scan3A_338, %scan3A_445 : i32
        %mul3A_447 = arith.constant 1 : i32
        %mul3A_448 = arith.muli %scan3A_446, %mul3A_447 : i32
        %add3A_449 = arith.constant 0 : i32
        %add3A_450 = arith.addi %add3A_449, %mul3A_448 : i32
        %get3A_451 = arith.index_cast %add3A_450 : i32 to index
        %get3A_452 = arith.constant 0 : index
        %get3A_453 = tpu.vector_load %arg8[%get3A_451, %get3A_452] {strides = array<i32>} : memref<200x128xf32, #tpu.memory_space<vmem>>, vector<1x16xf32>,
        %get3A_454 = vector.shape_cast %get3A_453 : vector<1x16xf32> to vector<16xf32>
        %add3A_455 = arith.addf %add3A_429, %get3A_454 : vector<16xf32>
        %get3A_456 = arith.index_cast %add3A_450 : i32 to index
        %get3A_457 = arith.constant 16 : index
        %get3A_458 = tpu.vector_load %arg8[%get3A_456, %get3A_457] {strides = array<i32>} : memref<200x128xf32, #tpu.memory_space<vmem>>, vector<1x16xf32>,
        %get3A_459 = vector.shape_cast %get3A_458 : vector<1x16xf32> to vector<16xf32>
        %add3A_460 = arith.addf %add3A_434, %get3A_459 : vector<16xf32>
        %get3A_461 = arith.index_cast %add3A_450 : i32 to index
        %get3A_462 = arith.constant 32 : index
        %get3A_463 = tpu.vector_load %arg8[%get3A_461, %get3A_462] {strides = array<i32>} : memref<200x128xf32, #tpu.memory_space<vmem>>, vector<1x16xf32>,
        %get3A_464 = vector.shape_cast %get3A_463 : vector<1x16xf32> to vector<16xf32>
        %add3A_465 = arith.addf %add3A_439, %get3A_464 : vector<16xf32>
        %get3A_466 = arith.index_cast %add3A_450 : i32 to index
        %get3A_467 = arith.constant 48 : index
        %get3A_468 = tpu.vector_load %arg8[%get3A_466, %get3A_467] {strides = array<i32>} : memref<200x128xf32, #tpu.memory_space<vmem>>, vector<1x16xf32>,
        %get3A_469 = vector.shape_cast %get3A_468 : vector<1x16xf32> to vector<16xf32>
        %add3A_470 = arith.addf %add3A_444, %get3A_469 : vector<16xf32>
        %scan3A_471 = arith.constant 5 : i32
        %scan3A_472 = arith.addi %scan3A_338, %scan3A_471 : i32
        %mul3A_473 = arith.constant 1 : i32
        %mul3A_474 = arith.muli %scan3A_472, %mul3A_473 : i32
        %add3A_475 = arith.constant 0 : i32
        %add3A_476 = arith.addi %add3A_475, %mul3A_474 : i32
        %get3A_477 = arith.index_cast %add3A_476 : i32 to index
        %get3A_478 = arith.constant 0 : index
        %get3A_479 = tpu.vector_load %arg8[%get3A_477, %get3A_478] {strides = array<i32>} : memref<200x128xf32, #tpu.memory_space<vmem>>, vector<1x16xf32>,
        %get3A_480 = vector.shape_cast %get3A_479 : vector<1x16xf32> to vector<16xf32>
        %add3A_481 = arith.addf %add3A_455, %get3A_480 : vector<16xf32>
        %get3A_482 = arith.index_cast %add3A_476 : i32 to index
        %get3A_483 = arith.constant 16 : index
        %get3A_484 = tpu.vector_load %arg8[%get3A_482, %get3A_483] {strides = array<i32>} : memref<200x128xf32, #tpu.memory_space<vmem>>, vector<1x16xf32>,
        %get3A_485 = vector.shape_cast %get3A_484 : vector<1x16xf32> to vector<16xf32>
        %add3A_486 = arith.addf %add3A_460, %get3A_485 : vector<16xf32>
        %get3A_487 = arith.index_cast %add3A_476 : i32 to index
        %get3A_488 = arith.constant 32 : index
        %get3A_489 = tpu.vector_load %arg8[%get3A_487, %get3A_488] {strides = array<i32>} : memref<200x128xf32, #tpu.memory_space<vmem>>, vector<1x16xf32>,
        %get3A_490 = vector.shape_cast %get3A_489 : vector<1x16xf32> to vector<16xf32>
        %add3A_491 = arith.addf %add3A_465, %get3A_490 : vector<16xf32>
        %get3A_492 = arith.index_cast %add3A_476 : i32 to index
        %get3A_493 = arith.constant 48 : index
        %get3A_494 = tpu.vector_load %arg8[%get3A_492, %get3A_493] {strides = array<i32>} : memref<200x128xf32, #tpu.memory_space<vmem>>, vector<1x16xf32>,
        %get3A_495 = vector.shape_cast %get3A_494 : vector<1x16xf32> to vector<16xf32>
        %add3A_496 = arith.addf %add3A_470, %get3A_495 : vector<16xf32>
        %scan3A_497 = arith.constant 6 : i32
        %scan3A_498 = arith.addi %scan3A_338, %scan3A_497 : i32
        %mul3A_499 = arith.constant 1 : i32
        %mul3A_500 = arith.muli %scan3A_498, %mul3A_499 : i32
        %add3A_501 = arith.constant 0 : i32
        %add3A_502 = arith.addi %add3A_501, %mul3A_500 : i32
        %get3A_503 = arith.index_cast %add3A_502 : i32 to index
        %get3A_504 = arith.constant 0 : index
        %get3A_505 = tpu.vector_load %arg8[%get3A_503, %get3A_504] {strides = array<i32>} : memref<200x128xf32, #tpu.memory_space<vmem>>, vector<1x16xf32>,
        %get3A_506 = vector.shape_cast %get3A_505 : vector<1x16xf32> to vector<16xf32>
        %add3A_507 = arith.addf %add3A_481, %get3A_506 : vector<16xf32>
        %get3A_508 = arith.index_cast %add3A_502 : i32 to index
        %get3A_509 = arith.constant 16 : index
        %get3A_510 = tpu.vector_load %arg8[%get3A_508, %get3A_509] {strides = array<i32>} : memref<200x128xf32, #tpu.memory_space<vmem>>, vector<1x16xf32>,
        %get3A_511 = vector.shape_cast %get3A_510 : vector<1x16xf32> to vector<16xf32>
        %add3A_512 = arith.addf %add3A_486, %get3A_511 : vector<16xf32>
        %get3A_513 = arith.index_cast %add3A_502 : i32 to index
        %get3A_514 = arith.constant 32 : index
        %get3A_515 = tpu.vector_load %arg8[%get3A_513, %get3A_514] {strides = array<i32>} : memref<200x128xf32, #tpu.memory_space<vmem>>, vector<1x16xf32>,
        %get3A_516 = vector.shape_cast %get3A_515 : vector<1x16xf32> to vector<16xf32>
        %add3A_517 = arith.addf %add3A_491, %get3A_516 : vector<16xf32>
        %get3A_518 = arith.index_cast %add3A_502 : i32 to index
        %get3A_519 = arith.constant 48 : index
        %get3A_520 = tpu.vector_load %arg8[%get3A_518, %get3A_519] {strides = array<i32>} : memref<200x128xf32, #tpu.memory_space<vmem>>, vector<1x16xf32>,
        %get3A_521 = vector.shape_cast %get3A_520 : vector<1x16xf32> to vector<16xf32>
        %add3A_522 = arith.addf %add3A_496, %get3A_521 : vector<16xf32>
        %scan3A_523 = arith.constant 7 : i32
        %scan3A_524 = arith.addi %scan3A_338, %scan3A_523 : i32
        %mul3A_525 = arith.constant 1 : i32
        %mul3A_526 = arith.muli %scan3A_524, %mul3A_525 : i32
        %add3A_527 = arith.constant 0 : i32
        %add3A_528 = arith.addi %add3A_527, %mul3A_526 : i32
        %get3A_529 = arith.index_cast %add3A_528 : i32 to index
        %get3A_530 = arith.constant 0 : index
        %get3A_531 = tpu.vector_load %arg8[%get3A_529, %get3A_530] {strides = array<i32>} : memref<200x128xf32, #tpu.memory_space<vmem>>, vector<1x16xf32>,
        %get3A_532 = vector.shape_cast %get3A_531 : vector<1x16xf32> to vector<16xf32>
        %add3A_533 = arith.addf %add3A_507, %get3A_532 : vector<16xf32>
        %get3A_534 = arith.index_cast %add3A_528 : i32 to index
        %get3A_535 = arith.constant 16 : index
        %get3A_536 = tpu.vector_load %arg8[%get3A_534, %get3A_535] {strides = array<i32>} : memref<200x128xf32, #tpu.memory_space<vmem>>, vector<1x16xf32>,
        %get3A_537 = vector.shape_cast %get3A_536 : vector<1x16xf32> to vector<16xf32>
        %add3A_538 = arith.addf %add3A_512, %get3A_537 : vector<16xf32>
        %get3A_539 = arith.index_cast %add3A_528 : i32 to index
        %get3A_540 = arith.constant 32 : index
        %get3A_541 = tpu.vector_load %arg8[%get3A_539, %get3A_540] {strides = array<i32>} : memref<200x128xf32, #tpu.memory_space<vmem>>, vector<1x16xf32>,
        %get3A_542 = vector.shape_cast %get3A_541 : vector<1x16xf32> to vector<16xf32>
        %add3A_543 = arith.addf %add3A_517, %get3A_542 : vector<16xf32>
        %get3A_544 = arith.index_cast %add3A_528 : i32 to index
        %get3A_545 = arith.constant 48 : index
        %get3A_546 = tpu.vector_load %arg8[%get3A_544, %get3A_545] {strides = array<i32>} : memref<200x128xf32, #tpu.memory_space<vmem>>, vector<1x16xf32>,
        %get3A_547 = vector.shape_cast %get3A_546 : vector<1x16xf32> to vector<16xf32>
        %add3A_548 = arith.addf %add3A_522, %get3A_547 : vector<16xf32>
        scf.yield %add3A_533, %add3A_538, %add3A_543, %add3A_548 : vector<16xf32>, vector<16xf32>, vector<16xf32>, vector<16xf32>
      }
      %scan3A_241 = arith.constant 200 : i32
      %mul3A_242 = vector.broadcast %squeeze3A : f32 to vector<16xf32>
      %mul3A_243 = arith.mulf %scan3A_240#0, %mul3A_242 : vector<16xf32>
      %swap3A_244 = arith.index_cast %add3A_233 : i32 to index
      %swap3A_245 = arith.constant 0 : index
      %swap3A_246 = tpu.vector_load %arg10[%swap3A_244, %swap3A_245] {strides = array<i32>} : memref<128x64xf32, #tpu.memory_space<vmem>>, vector<1x16xf32>,
      %swap3A_247 = vector.shape_cast %swap3A_246 : vector<1x16xf32> to vector<16xf32>
      %swap3A_248 = vector.shape_cast %mul3A_243 : vector<16xf32> to vector<1x16xf32>
      tpu.vector_store %arg10[%swap3A_244, %swap3A_245], %swap3A_248 {strides = array<i32>} : memref<128x64xf32, #tpu.memory_space<vmem>>, vector<1x16xf32>,
      %mul3A_249 = vector.broadcast %squeeze3A : f32 to vector<16xf32>
      %mul3A_250 = arith.mulf %scan3A_240#1, %mul3A_249 : vector<16xf32>
      %swap3A_251 = arith.index_cast %add3A_233 : i32 to index
      %swap3A_252 = arith.constant 16 : index
      %swap3A_253 = tpu.vector_load %arg10[%swap3A_251, %swap3A_252] {strides = array<i32>} : memref<128x64xf32, #tpu.memory_space<vmem>>, vector<1x16xf32>,
      %swap3A_254 = vector.shape_cast %swap3A_253 : vector<1x16xf32> to vector<16xf32>
      %swap3A_255 = vector.shape_cast %mul3A_250 : vector<16xf32> to vector<1x16xf32>
      tpu.vector_store %arg10[%swap3A_251, %swap3A_252], %swap3A_255 {strides = array<i32>} : memref<128x64xf32, #tpu.memory_space<vmem>>, vector<1x16xf32>,
      %mul3A_256 = vector.broadcast %squeeze3A : f32 to vector<16xf32>
      %mul3A_257 = arith.mulf %scan3A_240#2, %mul3A_256 : vector<16xf32>
      %swap3A_258 = arith.index_cast %add3A_233 : i32 to index
      %swap3A_259 = arith.constant 32 : index
      %swap3A_260 = tpu.vector_load %arg10[%swap3A_258, %swap3A_259] {strides = array<i32>} : memref<128x64xf32, #tpu.memory_space<vmem>>, vector<1x16xf32>,
      %swap3A_261 = vector.shape_cast %swap3A_260 : vector<1x16xf32> to vector<16xf32>
      %swap3A_262 = vector.shape_cast %mul3A_257 : vector<16xf32> to vector<1x16xf32>
      tpu.vector_store %arg10[%swap3A_258, %swap3A_259], %swap3A_262 {strides = array<i32>} : memref<128x64xf32, #tpu.memory_space<vmem>>, vector<1x16xf32>,
      %mul3A_263 = vector.broadcast %squeeze3A : f32 to vector<16xf32>
      %mul3A_264 = arith.mulf %scan3A_240#3, %mul3A_263 : vector<16xf32>
      %swap3A_265 = arith.index_cast %add3A_233 : i32 to index
      %swap3A_266 = arith.constant 48 : index
      %swap3A_267 = tpu.vector_load %arg10[%swap3A_265, %swap3A_266] {strides = array<i32>} : memref<128x64xf32, #tpu.memory_space<vmem>>, vector<1x16xf32>,
      %swap3A_268 = vector.shape_cast %swap3A_267 : vector<1x16xf32> to vector<16xf32>
      %swap3A_269 = vector.shape_cast %mul3A_264 : vector<16xf32> to vector<1x16xf32>
      tpu.vector_store %arg10[%swap3A_265, %swap3A_266], %swap3A_269 {strides = array<i32>} : memref<128x64xf32, #tpu.memory_space<vmem>>, vector<1x16xf32>,
      %add3A_270 = arith.constant 4 : i32
      %add3A_271 = arith.addi %add3A_163, %add3A_270 : i32
      %dma_start3A_272 = arith.constant 0 : i32
      %dma_start3A_273 = arith.constant 0 : i32
      %dma_start3A_274 = tpu.memref_slice %arg8[%dma_start3A_272, %dma_start3A_273] : memref<200x128xf32, #tpu.memory_space<vmem>> -> memref<128x128xf32, #tpu.memory_space<vmem>>
      %dma_start3A_275 = arith.constant 0 : i32
      %dma_start3A_276 = tpu.memref_slice %arg6[%add3A_271, %dma_start3A_275] : memref<128x256xi32, #tpu.memory_space<vmem>> -> memref<1x128xi32, #tpu.memory_space<vmem>>
      %dma_start3A_277 = tpu.memref_squeeze %dma_start3A_276 : memref<1x128xi32, #tpu.memory_space<vmem>> -> memref<128xi32, #tpu.memory_space<vmem>>
      %dma_start3A_278 = arith.constant 0 : i32
      %dma_start3A_279 = arith.constant 0 : i32
      %dma_start3A_280 = tpu.memref_slice %arg3[%dma_start3A_278, %dma_start3A_279] : memref<1000000x128xf32, #tpu.memory_space<hbm>> -> memref<1000000x128xf32, #tpu.memory_space<hbm>>
      tpu.enqueue_indirect_dma source(%dma_start3A_280 : memref<1000000x128xf32, #tpu.memory_space<hbm>>) target(%dma_start3A_274 : memref<128x128xf32, #tpu.memory_space<vmem>>) offsets(%dma_start3A_277 : memref<128xi32, #tpu.memory_space<vmem>>) semaphore(%arg12 : memref<!tpu.dma_semaphore, #tpu.memory_space<semaphore_mem>>)
      %dma_start3A_281 = arith.constant 128 : i32
      %dma_start3A_282 = arith.constant 0 : i32
      %dma_start3A_283 = tpu.memref_slice %arg8[%dma_start3A_281, %dma_start3A_282] : memref<200x128xf32, #tpu.memory_space<vmem>> -> memref<72x128xf32, #tpu.memory_space<vmem>>
      %dma_start3A_284 = arith.constant 128 : i32
      %dma_start3A_285 = tpu.memref_slice %arg6[%add3A_271, %dma_start3A_284] : memref<128x256xi32, #tpu.memory_space<vmem>> -> memref<1x72xi32, #tpu.memory_space<vmem>>
      %dma_start3A_286 = tpu.memref_squeeze %dma_start3A_285 : memref<1x72xi32, #tpu.memory_space<vmem>> -> memref<72xi32, #tpu.memory_space<vmem>>
      %dma_start3A_287 = arith.constant 0 : i32
      %dma_start3A_288 = arith.constant 0 : i32
      %dma_start3A_289 = tpu.memref_slice %arg3[%dma_start3A_287, %dma_start3A_288] : memref<1000000x128xf32, #tpu.memory_space<hbm>> -> memref<1000000x128xf32, #tpu.memory_space<hbm>>
      tpu.enqueue_indirect_dma source(%dma_start3A_289 : memref<1000000x128xf32, #tpu.memory_space<hbm>>) target(%dma_start3A_283 : memref<72x128xf32, #tpu.memory_space<vmem>>) offsets(%dma_start3A_286 : memref<72xi32, #tpu.memory_space<vmem>>) semaphore(%arg12 : memref<!tpu.dma_semaphore, #tpu.memory_space<semaphore_mem>>)
      %dma_wait3A_290 = arith.constant 0 : i32
      %dma_wait3A_291 = arith.constant 0 : i32
      %dma_wait3A_292 = tpu.memref_slice %arg3[%dma_wait3A_290, %dma_wait3A_291] : memref<1000000x128xf32, #tpu.memory_space<hbm>> -> memref<200x128xf32, #tpu.memory_space<hbm>>
      %dma_wait3A_293 = arith.constant 0 : i32
      %dma_wait3A_294 = arith.constant 0 : i32
      %dma_wait3A_295 = tpu.memref_slice %arg3[%dma_wait3A_293, %dma_wait3A_294] : memref<1000000x128xf32, #tpu.memory_space<hbm>> -> memref<200x128xf32, #tpu.memory_space<hbm>>
      tpu.wait_dma2 semaphore(%arg13 : memref<!tpu.dma_semaphore, #tpu.memory_space<semaphore_mem>>) src(%dma_wait3A_295 : memref<200x128xf32, #tpu.memory_space<hbm>>) dst(%arg9 : memref<200x128xf32, #tpu.memory_space<vmem>>)
      %add3A_296 = arith.constant 2 : i32
      %add3A_297 = arith.addi %add3A_163, %add3A_296 : i32
      %broadcast_in_dim3A_298 = arith.constant 0.000000e+00 : f32
      %broadcast_in_dim3A_299 = vector.broadcast %broadcast_in_dim3A_298 : f32 to vector<16xf32>
      %scan3A_300 = arith.constant 0 : i32
      %scan3A_301 = arith.constant 200 : i32
      %scan3A_302 = arith.addi %scan3A_300, %scan3A_301 : i32
      %scan3A_303 = arith.constant 8 : i32
      %scan3A_304:4 = scf.for %scan3A_338 = %scan3A_300 to %scan3A_302 step %scan3A_303 iter_args(%scan3A_339 = %broadcast_in_dim3A_299, %scan3A_340 = %broadcast_in_dim3A_299, %scan3A_341 = %broadcast_in_dim3A_299, %scan3A_342 = %broadcast_in_dim3A_299) -> (vector<16xf32>, vector<16xf32>, vector<16xf32>, vector<16xf32>)  : i32 {
        %mul3A_343 = arith.constant 1 : i32
        %mul3A_344 = arith.muli %scan3A_338, %mul3A_343 : i32
        %add3A_345 = arith.constant 0 : i32
        %add3A_346 = arith.addi %add3A_345, %mul3A_344 : i32
        %get3A_347 = arith.index_cast %add3A_346 : i32 to index
        %get3A_348 = arith.constant 0 : index
        %get3A_349 = tpu.vector_load %arg9[%get3A_347, %get3A_348] {strides = array<i32>} : memref<200x128xf32, #tpu.memory_space<vmem>>, vector<1x16xf32>,
        %get3A_350 = vector.shape_cast %get3A_349 : vector<1x16xf32> to vector<16xf32>
        %add3A_351 = arith.addf %scan3A_339, %get3A_350 : vector<16xf32>
        %get3A_352 = arith.index_cast %add3A_346 : i32 to index
        %get3A_353 = arith.constant 16 : index
        %get3A_354 = tpu.vector_load %arg9[%get3A_352, %get3A_353] {strides = array<i32>} : memref<200x128xf32, #tpu.memory_space<vmem>>, vector<1x16xf32>,
        %get3A_355 = vector.shape_cast %get3A_354 : vector<1x16xf32> to vector<16xf32>
        %add3A_356 = arith.addf %scan3A_340, %get3A_355 : vector<16xf32>
        %get3A_357 = arith.index_cast %add3A_346 : i32 to index
        %get3A_358 = arith.constant 32 : index
        %get3A_359 = tpu.vector_load %arg9[%get3A_357, %get3A_358] {strides = array<i32>} : memref<200x128xf32, #tpu.memory_space<vmem>>, vector<1x16xf32>,
        %get3A_360 = vector.shape_cast %get3A_359 : vector<1x16xf32> to vector<16xf32>
        %add3A_361 = arith.addf %scan3A_341, %get3A_360 : vector<16xf32>
        %get3A_362 = arith.index_cast %add3A_346 : i32 to index
        %get3A_363 = arith.constant 48 : index
        %get3A_364 = tpu.vector_load %arg9[%get3A_362, %get3A_363] {strides = array<i32>} : memref<200x128xf32, #tpu.memory_space<vmem>>, vector<1x16xf32>,
        %get3A_365 = vector.shape_cast %get3A_364 : vector<1x16xf32> to vector<16xf32>
        %add3A_366 = arith.addf %scan3A_342, %get3A_365 : vector<16xf32>
        %scan3A_367 = arith.constant 1 : i32
        %scan3A_368 = arith.addi %scan3A_338, %scan3A_367 : i32
        %mul3A_369 = arith.constant 1 : i32
        %mul3A_370 = arith.muli %scan3A_368, %mul3A_369 : i32
        %add3A_371 = arith.constant 0 : i32
        %add3A_372 = arith.addi %add3A_371, %mul3A_370 : i32
        %get3A_373 = arith.index_cast %add3A_372 : i32 to index
        %get3A_374 = arith.constant 0 : index
        %get3A_375 = tpu.vector_load %arg9[%get3A_373, %get3A_374] {strides = array<i32>} : memref<200x128xf32, #tpu.memory_space<vmem>>, vector<1x16xf32>,
        %get3A_376 = vector.shape_cast %get3A_375 : vector<1x16xf32> to vector<16xf32>
        %add3A_377 = arith.addf %add3A_351, %get3A_376 : vector<16xf32>
        %get3A_378 = arith.index_cast %add3A_372 : i32 to index
        %get3A_379 = arith.constant 16 : index
        %get3A_380 = tpu.vector_load %arg9[%get3A_378, %get3A_379] {strides = array<i32>} : memref<200x128xf32, #tpu.memory_space<vmem>>, vector<1x16xf32>,
        %get3A_381 = vector.shape_cast %get3A_380 : vector<1x16xf32> to vector<16xf32>
        %add3A_382 = arith.addf %add3A_356, %get3A_381 : vector<16xf32>
        %get3A_383 = arith.index_cast %add3A_372 : i32 to index
        %get3A_384 = arith.constant 32 : index
        %get3A_385 = tpu.vector_load %arg9[%get3A_383, %get3A_384] {strides = array<i32>} : memref<200x128xf32, #tpu.memory_space<vmem>>, vector<1x16xf32>,
        %get3A_386 = vector.shape_cast %get3A_385 : vector<1x16xf32> to vector<16xf32>
        %add3A_387 = arith.addf %add3A_361, %get3A_386 : vector<16xf32>
        %get3A_388 = arith.index_cast %add3A_372 : i32 to index
        %get3A_389 = arith.constant 48 : index
        %get3A_390 = tpu.vector_load %arg9[%get3A_388, %get3A_389] {strides = array<i32>} : memref<200x128xf32, #tpu.memory_space<vmem>>, vector<1x16xf32>,
        %get3A_391 = vector.shape_cast %get3A_390 : vector<1x16xf32> to vector<16xf32>
        %add3A_392 = arith.addf %add3A_366, %get3A_391 : vector<16xf32>
        %scan3A_393 = arith.constant 2 : i32
        %scan3A_394 = arith.addi %scan3A_338, %scan3A_393 : i32
        %mul3A_395 = arith.constant 1 : i32
        %mul3A_396 = arith.muli %scan3A_394, %mul3A_395 : i32
        %add3A_397 = arith.constant 0 : i32
        %add3A_398 = arith.addi %add3A_397, %mul3A_396 : i32
        %get3A_399 = arith.index_cast %add3A_398 : i32 to index
        %get3A_400 = arith.constant 0 : index
        %get3A_401 = tpu.vector_load %arg9[%get3A_399, %get3A_400] {strides = array<i32>} : memref<200x128xf32, #tpu.memory_space<vmem>>, vector<1x16xf32>,
        %get3A_402 = vector.shape_cast %get3A_401 : vector<1x16xf32> to vector<16xf32>
        %add3A_403 = arith.addf %add3A_377, %get3A_402 : vector<16xf32>
        %get3A_404 = arith.index_cast %add3A_398 : i32 to index
        %get3A_405 = arith.constant 16 : index
        %get3A_406 = tpu.vector_load %arg9[%get3A_404, %get3A_405] {strides = array<i32>} : memref<200x128xf32, #tpu.memory_space<vmem>>, vector<1x16xf32>,
        %get3A_407 = vector.shape_cast %get3A_406 : vector<1x16xf32> to vector<16xf32>
        %add3A_408 = arith.addf %add3A_382, %get3A_407 : vector<16xf32>
        %get3A_409 = arith.index_cast %add3A_398 : i32 to index
        %get3A_410 = arith.constant 32 : index
        %get3A_411 = tpu.vector_load %arg9[%get3A_409, %get3A_410] {strides = array<i32>} : memref<200x128xf32, #tpu.memory_space<vmem>>, vector<1x16xf32>,
        %get3A_412 = vector.shape_cast %get3A_411 : vector<1x16xf32> to vector<16xf32>
        %add3A_413 = arith.addf %add3A_387, %get3A_412 : vector<16xf32>
        %get3A_414 = arith.index_cast %add3A_398 : i32 to index
        %get3A_415 = arith.constant 48 : index
        %get3A_416 = tpu.vector_load %arg9[%get3A_414, %get3A_415] {strides = array<i32>} : memref<200x128xf32, #tpu.memory_space<vmem>>, vector<1x16xf32>,
        %get3A_417 = vector.shape_cast %get3A_416 : vector<1x16xf32> to vector<16xf32>
        %add3A_418 = arith.addf %add3A_392, %get3A_417 : vector<16xf32>
        %scan3A_419 = arith.constant 3 : i32
        %scan3A_420 = arith.addi %scan3A_338, %scan3A_419 : i32
        %mul3A_421 = arith.constant 1 : i32
        %mul3A_422 = arith.muli %scan3A_420, %mul3A_421 : i32
        %add3A_423 = arith.constant 0 : i32
        %add3A_424 = arith.addi %add3A_423, %mul3A_422 : i32
        %get3A_425 = arith.index_cast %add3A_424 : i32 to index
        %get3A_426 = arith.constant 0 : index
        %get3A_427 = tpu.vector_load %arg9[%get3A_425, %get3A_426] {strides = array<i32>} : memref<200x128xf32, #tpu.memory_space<vmem>>, vector<1x16xf32>,
        %get3A_428 = vector.shape_cast %get3A_427 : vector<1x16xf32> to vector<16xf32>
        %add3A_429 = arith.addf %add3A_403, %get3A_428 : vector<16xf32>
        %get3A_430 = arith.index_cast %add3A_424 : i32 to index
        %get3A_431 = arith.constant 16 : index
        %get3A_432 = tpu.vector_load %arg9[%get3A_430, %get3A_431] {strides = array<i32>} : memref<200x128xf32, #tpu.memory_space<vmem>>, vector<1x16xf32>,
        %get3A_433 = vector.shape_cast %get3A_432 : vector<1x16xf32> to vector<16xf32>
        %add3A_434 = arith.addf %add3A_408, %get3A_433 : vector<16xf32>
        %get3A_435 = arith.index_cast %add3A_424 : i32 to index
        %get3A_436 = arith.constant 32 : index
        %get3A_437 = tpu.vector_load %arg9[%get3A_435, %get3A_436] {strides = array<i32>} : memref<200x128xf32, #tpu.memory_space<vmem>>, vector<1x16xf32>,
        %get3A_438 = vector.shape_cast %get3A_437 : vector<1x16xf32> to vector<16xf32>
        %add3A_439 = arith.addf %add3A_413, %get3A_438 : vector<16xf32>
        %get3A_440 = arith.index_cast %add3A_424 : i32 to index
        %get3A_441 = arith.constant 48 : index
        %get3A_442 = tpu.vector_load %arg9[%get3A_440, %get3A_441] {strides = array<i32>} : memref<200x128xf32, #tpu.memory_space<vmem>>, vector<1x16xf32>,
        %get3A_443 = vector.shape_cast %get3A_442 : vector<1x16xf32> to vector<16xf32>
        %add3A_444 = arith.addf %add3A_418, %get3A_443 : vector<16xf32>
        %scan3A_445 = arith.constant 4 : i32
        %scan3A_446 = arith.addi %scan3A_338, %scan3A_445 : i32
        %mul3A_447 = arith.constant 1 : i32
        %mul3A_448 = arith.muli %scan3A_446, %mul3A_447 : i32
        %add3A_449 = arith.constant 0 : i32
        %add3A_450 = arith.addi %add3A_449, %mul3A_448 : i32
        %get3A_451 = arith.index_cast %add3A_450 : i32 to index
        %get3A_452 = arith.constant 0 : index
        %get3A_453 = tpu.vector_load %arg9[%get3A_451, %get3A_452] {strides = array<i32>} : memref<200x128xf32, #tpu.memory_space<vmem>>, vector<1x16xf32>,
        %get3A_454 = vector.shape_cast %get3A_453 : vector<1x16xf32> to vector<16xf32>
        %add3A_455 = arith.addf %add3A_429, %get3A_454 : vector<16xf32>
        %get3A_456 = arith.index_cast %add3A_450 : i32 to index
        %get3A_457 = arith.constant 16 : index
        %get3A_458 = tpu.vector_load %arg9[%get3A_456, %get3A_457] {strides = array<i32>} : memref<200x128xf32, #tpu.memory_space<vmem>>, vector<1x16xf32>,
        %get3A_459 = vector.shape_cast %get3A_458 : vector<1x16xf32> to vector<16xf32>
        %add3A_460 = arith.addf %add3A_434, %get3A_459 : vector<16xf32>
        %get3A_461 = arith.index_cast %add3A_450 : i32 to index
        %get3A_462 = arith.constant 32 : index
        %get3A_463 = tpu.vector_load %arg9[%get3A_461, %get3A_462] {strides = array<i32>} : memref<200x128xf32, #tpu.memory_space<vmem>>, vector<1x16xf32>,
        %get3A_464 = vector.shape_cast %get3A_463 : vector<1x16xf32> to vector<16xf32>
        %add3A_465 = arith.addf %add3A_439, %get3A_464 : vector<16xf32>
        %get3A_466 = arith.index_cast %add3A_450 : i32 to index
        %get3A_467 = arith.constant 48 : index
        %get3A_468 = tpu.vector_load %arg9[%get3A_466, %get3A_467] {strides = array<i32>} : memref<200x128xf32, #tpu.memory_space<vmem>>, vector<1x16xf32>,
        %get3A_469 = vector.shape_cast %get3A_468 : vector<1x16xf32> to vector<16xf32>
        %add3A_470 = arith.addf %add3A_444, %get3A_469 : vector<16xf32>
        %scan3A_471 = arith.constant 5 : i32
        %scan3A_472 = arith.addi %scan3A_338, %scan3A_471 : i32
        %mul3A_473 = arith.constant 1 : i32
        %mul3A_474 = arith.muli %scan3A_472, %mul3A_473 : i32
        %add3A_475 = arith.constant 0 : i32
        %add3A_476 = arith.addi %add3A_475, %mul3A_474 : i32
        %get3A_477 = arith.index_cast %add3A_476 : i32 to index
        %get3A_478 = arith.constant 0 : index
        %get3A_479 = tpu.vector_load %arg9[%get3A_477, %get3A_478] {strides = array<i32>} : memref<200x128xf32, #tpu.memory_space<vmem>>, vector<1x16xf32>,
        %get3A_480 = vector.shape_cast %get3A_479 : vector<1x16xf32> to vector<16xf32>
        %add3A_481 = arith.addf %add3A_455, %get3A_480 : vector<16xf32>
        %get3A_482 = arith.index_cast %add3A_476 : i32 to index
        %get3A_483 = arith.constant 16 : index
        %get3A_484 = tpu.vector_load %arg9[%get3A_482, %get3A_483] {strides = array<i32>} : memref<200x128xf32, #tpu.memory_space<vmem>>, vector<1x16xf32>,
        %get3A_485 = vector.shape_cast %get3A_484 : vector<1x16xf32> to vector<16xf32>
        %add3A_486 = arith.addf %add3A_460, %get3A_485 : vector<16xf32>
        %get3A_487 = arith.index_cast %add3A_476 : i32 to index
        %get3A_488 = arith.constant 32 : index
        %get3A_489 = tpu.vector_load %arg9[%get3A_487, %get3A_488] {strides = array<i32>} : memref<200x128xf32, #tpu.memory_space<vmem>>, vector<1x16xf32>,
        %get3A_490 = vector.shape_cast %get3A_489 : vector<1x16xf32> to vector<16xf32>
        %add3A_491 = arith.addf %add3A_465, %get3A_490 : vector<16xf32>
        %get3A_492 = arith.index_cast %add3A_476 : i32 to index
        %get3A_493 = arith.constant 48 : index
        %get3A_494 = tpu.vector_load %arg9[%get3A_492, %get3A_493] {strides = array<i32>} : memref<200x128xf32, #tpu.memory_space<vmem>>, vector<1x16xf32>,
        %get3A_495 = vector.shape_cast %get3A_494 : vector<1x16xf32> to vector<16xf32>
        %add3A_496 = arith.addf %add3A_470, %get3A_495 : vector<16xf32>
        %scan3A_497 = arith.constant 6 : i32
        %scan3A_498 = arith.addi %scan3A_338, %scan3A_497 : i32
        %mul3A_499 = arith.constant 1 : i32
        %mul3A_500 = arith.muli %scan3A_498, %mul3A_499 : i32
        %add3A_501 = arith.constant 0 : i32
        %add3A_502 = arith.addi %add3A_501, %mul3A_500 : i32
        %get3A_503 = arith.index_cast %add3A_502 : i32 to index
        %get3A_504 = arith.constant 0 : index
        %get3A_505 = tpu.vector_load %arg9[%get3A_503, %get3A_504] {strides = array<i32>} : memref<200x128xf32, #tpu.memory_space<vmem>>, vector<1x16xf32>,
        %get3A_506 = vector.shape_cast %get3A_505 : vector<1x16xf32> to vector<16xf32>
        %add3A_507 = arith.addf %add3A_481, %get3A_506 : vector<16xf32>
        %get3A_508 = arith.index_cast %add3A_502 : i32 to index
        %get3A_509 = arith.constant 16 : index
        %get3A_510 = tpu.vector_load %arg9[%get3A_508, %get3A_509] {strides = array<i32>} : memref<200x128xf32, #tpu.memory_space<vmem>>, vector<1x16xf32>,
        %get3A_511 = vector.shape_cast %get3A_510 : vector<1x16xf32> to vector<16xf32>
        %add3A_512 = arith.addf %add3A_486, %get3A_511 : vector<16xf32>
        %get3A_513 = arith.index_cast %add3A_502 : i32 to index
        %get3A_514 = arith.constant 32 : index
        %get3A_515 = tpu.vector_load %arg9[%get3A_513, %get3A_514] {strides = array<i32>} : memref<200x128xf32, #tpu.memory_space<vmem>>, vector<1x16xf32>,
        %get3A_516 = vector.shape_cast %get3A_515 : vector<1x16xf32> to vector<16xf32>
        %add3A_517 = arith.addf %add3A_491, %get3A_516 : vector<16xf32>
        %get3A_518 = arith.index_cast %add3A_502 : i32 to index
        %get3A_519 = arith.constant 48 : index
        %get3A_520 = tpu.vector_load %arg9[%get3A_518, %get3A_519] {strides = array<i32>} : memref<200x128xf32, #tpu.memory_space<vmem>>, vector<1x16xf32>,
        %get3A_521 = vector.shape_cast %get3A_520 : vector<1x16xf32> to vector<16xf32>
        %add3A_522 = arith.addf %add3A_496, %get3A_521 : vector<16xf32>
        %scan3A_523 = arith.constant 7 : i32
        %scan3A_524 = arith.addi %scan3A_338, %scan3A_523 : i32
        %mul3A_525 = arith.constant 1 : i32
        %mul3A_526 = arith.muli %scan3A_524, %mul3A_525 : i32
        %add3A_527 = arith.constant 0 : i32
        %add3A_528 = arith.addi %add3A_527, %mul3A_526 : i32
        %get3A_529 = arith.index_cast %add3A_528 : i32 to index
        %get3A_530 = arith.constant 0 : index
        %get3A_531 = tpu.vector_load %arg9[%get3A_529, %get3A_530] {strides = array<i32>} : memref<200x128xf32, #tpu.memory_space<vmem>>, vector<1x16xf32>,
        %get3A_532 = vector.shape_cast %get3A_531 : vector<1x16xf32> to vector<16xf32>
        %add3A_533 = arith.addf %add3A_507, %get3A_532 : vector<16xf32>
        %get3A_534 = arith.index_cast %add3A_528 : i32 to index
        %get3A_535 = arith.constant 16 : index
        %get3A_536 = tpu.vector_load %arg9[%get3A_534, %get3A_535] {strides = array<i32>} : memref<200x128xf32, #tpu.memory_space<vmem>>, vector<1x16xf32>,
        %get3A_537 = vector.shape_cast %get3A_536 : vector<1x16xf32> to vector<16xf32>
        %add3A_538 = arith.addf %add3A_512, %get3A_537 : vector<16xf32>
        %get3A_539 = arith.index_cast %add3A_528 : i32 to index
        %get3A_540 = arith.constant 32 : index
        %get3A_541 = tpu.vector_load %arg9[%get3A_539, %get3A_540] {strides = array<i32>} : memref<200x128xf32, #tpu.memory_space<vmem>>, vector<1x16xf32>,
        %get3A_542 = vector.shape_cast %get3A_541 : vector<1x16xf32> to vector<16xf32>
        %add3A_543 = arith.addf %add3A_517, %get3A_542 : vector<16xf32>
        %get3A_544 = arith.index_cast %add3A_528 : i32 to index
        %get3A_545 = arith.constant 48 : index
        %get3A_546 = tpu.vector_load %arg9[%get3A_544, %get3A_545] {strides = array<i32>} : memref<200x128xf32, #tpu.memory_space<vmem>>, vector<1x16xf32>,
        %get3A_547 = vector.shape_cast %get3A_546 : vector<1x16xf32> to vector<16xf32>
        %add3A_548 = arith.addf %add3A_522, %get3A_547 : vector<16xf32>
        scf.yield %add3A_533, %add3A_538, %add3A_543, %add3A_548 : vector<16xf32>, vector<16xf32>, vector<16xf32>, vector<16xf32>
      }
      %scan3A_305 = arith.constant 200 : i32
      %mul3A_306 = vector.broadcast %squeeze3A : f32 to vector<16xf32>
      %mul3A_307 = arith.mulf %scan3A_304#0, %mul3A_306 : vector<16xf32>
      %swap3A_308 = arith.index_cast %add3A_297 : i32 to index
      %swap3A_309 = arith.constant 0 : index
      %swap3A_310 = tpu.vector_load %arg10[%swap3A_308, %swap3A_309] {strides = array<i32>} : memref<128x64xf32, #tpu.memory_space<vmem>>, vector<1x16xf32>,
      %swap3A_311 = vector.shape_cast %swap3A_310 : vector<1x16xf32> to vector<16xf32>
      %swap3A_312 = vector.shape_cast %mul3A_307 : vector<16xf32> to vector<1x16xf32>
      tpu.vector_store %arg10[%swap3A_308, %swap3A_309], %swap3A_312 {strides = array<i32>} : memref<128x64xf32, #tpu.memory_space<vmem>>, vector<1x16xf32>,
      %mul3A_313 = vector.broadcast %squeeze3A : f32 to vector<16xf32>
      %mul3A_314 = arith.mulf %scan3A_304#1, %mul3A_313 : vector<16xf32>
      %swap3A_315 = arith.index_cast %add3A_297 : i32 to index
      %swap3A_316 = arith.constant 16 : index
      %swap3A_317 = tpu.vector_load %arg10[%swap3A_315, %swap3A_316] {strides = array<i32>} : memref<128x64xf32, #tpu.memory_space<vmem>>, vector<1x16xf32>,
      %swap3A_318 = vector.shape_cast %swap3A_317 : vector<1x16xf32> to vector<16xf32>
      %swap3A_319 = vector.shape_cast %mul3A_314 : vector<16xf32> to vector<1x16xf32>
      tpu.vector_store %arg10[%swap3A_315, %swap3A_316], %swap3A_319 {strides = array<i32>} : memref<128x64xf32, #tpu.memory_space<vmem>>, vector<1x16xf32>,
      %mul3A_320 = vector.broadcast %squeeze3A : f32 to vector<16xf32>
      %mul3A_321 = arith.mulf %scan3A_304#2, %mul3A_320 : vector<16xf32>
      %swap3A_322 = arith.index_cast %add3A_297 : i32 to index
      %swap3A_323 = arith.constant 32 : index
      %swap3A_324 = tpu.vector_load %arg10[%swap3A_322, %swap3A_323] {strides = array<i32>} : memref<128x64xf32, #tpu.memory_space<vmem>>, vector<1x16xf32>,
      %swap3A_325 = vector.shape_cast %swap3A_324 : vector<1x16xf32> to vector<16xf32>
      %swap3A_326 = vector.shape_cast %mul3A_321 : vector<16xf32> to vector<1x16xf32>
      tpu.vector_store %arg10[%swap3A_322, %swap3A_323], %swap3A_326 {strides = array<i32>} : memref<128x64xf32, #tpu.memory_space<vmem>>, vector<1x16xf32>,
      %mul3A_327 = vector.broadcast %squeeze3A : f32 to vector<16xf32>
      %mul3A_328 = arith.mulf %scan3A_304#3, %mul3A_327 : vector<16xf32>
      %swap3A_329 = arith.index_cast %add3A_297 : i32 to index
      %swap3A_330 = arith.constant 48 : index
      %swap3A_331 = tpu.vector_load %arg10[%swap3A_329, %swap3A_330] {strides = array<i32>} : memref<128x64xf32, #tpu.memory_space<vmem>>, vector<1x16xf32>,
      %swap3A_332 = vector.shape_cast %swap3A_331 : vector<1x16xf32> to vector<16xf32>
      %swap3A_333 = vector.shape_cast %mul3A_328 : vector<16xf32> to vector<1x16xf32>
      tpu.vector_store %arg10[%swap3A_329, %swap3A_330], %swap3A_333 {strides = array<i32>} : memref<128x64xf32, #tpu.memory_space<vmem>>, vector<1x16xf32>,
      %add3A_334 = arith.constant 5 : i32
      %add3A_335 = arith.addi %add3A_163, %add3A_334 : i32
      %lt3A = arith.constant 128 : i32
      %lt3A_336 = arith.cmpi slt, %add3A_335, %lt3A : i32
      %convert_element_type3A = arith.extui %lt3A_336 : i1 to i32
      %cond3A = arith.constant 0 : i32
      %cond3A_337 = arith.cmpi ne, %convert_element_type3A, %cond3A : i32
      scf.if %cond3A_337 {
        %add3A_338 = arith.constant 5 : i32
        %add3A_339 = arith.addi %add3A_163, %add3A_338 : i32
        %dma_start3A_340 = arith.constant 0 : i32
        %dma_start3A_341 = arith.constant 0 : i32
        %dma_start3A_342 = tpu.memref_slice %arg9[%dma_start3A_340, %dma_start3A_341] : memref<200x128xf32, #tpu.memory_space<vmem>> -> memref<128x128xf32, #tpu.memory_space<vmem>>
        %dma_start3A_343 = arith.constant 0 : i32
        %dma_start3A_344 = tpu.memref_slice %arg6[%add3A_339, %dma_start3A_343] : memref<128x256xi32, #tpu.memory_space<vmem>> -> memref<1x128xi32, #tpu.memory_space<vmem>>
        %dma_start3A_345 = tpu.memref_squeeze %dma_start3A_344 : memref<1x128xi32, #tpu.memory_space<vmem>> -> memref<128xi32, #tpu.memory_space<vmem>>
        %dma_start3A_346 = arith.constant 0 : i32
        %dma_start3A_347 = arith.constant 0 : i32
        %dma_start3A_348 = tpu.memref_slice %arg3[%dma_start3A_346, %dma_start3A_347] : memref<1000000x128xf32, #tpu.memory_space<hbm>> -> memref<1000000x128xf32, #tpu.memory_space<hbm>>
        tpu.enqueue_indirect_dma source(%dma_start3A_348 : memref<1000000x128xf32, #tpu.memory_space<hbm>>) target(%dma_start3A_342 : memref<128x128xf32, #tpu.memory_space<vmem>>) offsets(%dma_start3A_345 : memref<128xi32, #tpu.memory_space<vmem>>) semaphore(%arg13 : memref<!tpu.dma_semaphore, #tpu.memory_space<semaphore_mem>>)
        %dma_start3A_349 = arith.constant 128 : i32
        %dma_start3A_350 = arith.constant 0 : i32
        %dma_start3A_351 = tpu.memref_slice %arg9[%dma_start3A_349, %dma_start3A_350] : memref<200x128xf32, #tpu.memory_space<vmem>> -> memref<72x128xf32, #tpu.memory_space<vmem>>
        %dma_start3A_352 = arith.constant 128 : i32
        %dma_start3A_353 = tpu.memref_slice %arg6[%add3A_339, %dma_start3A_352] : memref<128x256xi32, #tpu.memory_space<vmem>> -> memref<1x72xi32, #tpu.memory_space<vmem>>
        %dma_start3A_354 = tpu.memref_squeeze %dma_start3A_353 : memref<1x72xi32, #tpu.memory_space<vmem>> -> memref<72xi32, #tpu.memory_space<vmem>>
        %dma_start3A_355 = arith.constant 0 : i32
        %dma_start3A_356 = arith.constant 0 : i32
        %dma_start3A_357 = tpu.memref_slice %arg3[%dma_start3A_355, %dma_start3A_356] : memref<1000000x128xf32, #tpu.memory_space<hbm>> -> memref<1000000x128xf32, #tpu.memory_space<hbm>>
        tpu.enqueue_indirect_dma source(%dma_start3A_357 : memref<1000000x128xf32, #tpu.memory_space<hbm>>) target(%dma_start3A_351 : memref<72x128xf32, #tpu.memory_space<vmem>>) offsets(%dma_start3A_354 : memref<72xi32, #tpu.memory_space<vmem>>) semaphore(%arg13 : memref<!tpu.dma_semaphore, #tpu.memory_space<semaphore_mem>>)
      } else {
      }
    }
    %scan3A_67 = arith.constant 42 : i32
    %dma_wait3A = arith.constant 0 : i32
    %dma_wait3A_68 = arith.constant 0 : i32
    %dma_wait3A_69 = tpu.memref_slice %arg3[%dma_wait3A, %dma_wait3A_68] : memref<1000000x128xf32, #tpu.memory_space<hbm>> -> memref<200x128xf32, #tpu.memory_space<hbm>>
    %dma_wait3A_70 = arith.constant 0 : i32
    %dma_wait3A_71 = arith.constant 0 : i32
    %dma_wait3A_72 = tpu.memref_slice %arg3[%dma_wait3A_70, %dma_wait3A_71] : memref<1000000x128xf32, #tpu.memory_space<hbm>> -> memref<200x128xf32, #tpu.memory_space<hbm>>
    tpu.wait_dma2 semaphore(%arg11 : memref<!tpu.dma_semaphore, #tpu.memory_space<semaphore_mem>>) src(%dma_wait3A_72 : memref<200x128xf32, #tpu.memory_space<hbm>>) dst(%arg7 : memref<200x128xf32, #tpu.memory_space<vmem>>)
    %broadcast_in_dim3A = arith.constant 0.000000e+00 : f32
    %broadcast_in_dim3A_73 = vector.broadcast %broadcast_in_dim3A : f32 to vector<16xf32>
    %scan3A_74 = arith.constant 0 : i32
    %scan3A_75 = arith.constant 200 : i32
    %scan3A_76 = arith.addi %scan3A_74, %scan3A_75 : i32
    %scan3A_77 = arith.constant 8 : i32
    %scan3A_78:4 = scf.for %scan3A_159 = %scan3A_74 to %scan3A_76 step %scan3A_77 iter_args(%scan3A_160 = %broadcast_in_dim3A_73, %scan3A_161 = %broadcast_in_dim3A_73, %scan3A_162 = %broadcast_in_dim3A_73, %scan3A_163 = %broadcast_in_dim3A_73) -> (vector<16xf32>, vector<16xf32>, vector<16xf32>, vector<16xf32>)  : i32 {
      %mul3A_164 = arith.constant 1 : i32
      %mul3A_165 = arith.muli %scan3A_159, %mul3A_164 : i32
      %add3A_166 = arith.constant 0 : i32
      %add3A_167 = arith.addi %add3A_166, %mul3A_165 : i32
      %get3A_168 = arith.index_cast %add3A_167 : i32 to index
      %get3A_169 = arith.constant 0 : index
      %get3A_170 = tpu.vector_load %arg7[%get3A_168, %get3A_169] {strides = array<i32>} : memref<200x128xf32, #tpu.memory_space<vmem>>, vector<1x16xf32>,
      %get3A_171 = vector.shape_cast %get3A_170 : vector<1x16xf32> to vector<16xf32>
      %add3A_172 = arith.addf %scan3A_160, %get3A_171 : vector<16xf32>
      %get3A_173 = arith.index_cast %add3A_167 : i32 to index
      %get3A_174 = arith.constant 16 : index
      %get3A_175 = tpu.vector_load %arg7[%get3A_173, %get3A_174] {strides = array<i32>} : memref<200x128xf32, #tpu.memory_space<vmem>>, vector<1x16xf32>,
      %get3A_176 = vector.shape_cast %get3A_175 : vector<1x16xf32> to vector<16xf32>
      %add3A_177 = arith.addf %scan3A_161, %get3A_176 : vector<16xf32>
      %get3A_178 = arith.index_cast %add3A_167 : i32 to index
      %get3A_179 = arith.constant 32 : index
      %get3A_180 = tpu.vector_load %arg7[%get3A_178, %get3A_179] {strides = array<i32>} : memref<200x128xf32, #tpu.memory_space<vmem>>, vector<1x16xf32>,
      %get3A_181 = vector.shape_cast %get3A_180 : vector<1x16xf32> to vector<16xf32>
      %add3A_182 = arith.addf %scan3A_162, %get3A_181 : vector<16xf32>
      %get3A_183 = arith.index_cast %add3A_167 : i32 to index
      %get3A_184 = arith.constant 48 : index
      %get3A_185 = tpu.vector_load %arg7[%get3A_183, %get3A_184] {strides = array<i32>} : memref<200x128xf32, #tpu.memory_space<vmem>>, vector<1x16xf32>,
      %get3A_186 = vector.shape_cast %get3A_185 : vector<1x16xf32> to vector<16xf32>
      %add3A_187 = arith.addf %scan3A_163, %get3A_186 : vector<16xf32>
      %scan3A_188 = arith.constant 1 : i32
      %scan3A_189 = arith.addi %scan3A_159, %scan3A_188 : i32
      %mul3A_190 = arith.constant 1 : i32
      %mul3A_191 = arith.muli %scan3A_189, %mul3A_190 : i32
      %add3A_192 = arith.constant 0 : i32
      %add3A_193 = arith.addi %add3A_192, %mul3A_191 : i32
      %get3A_194 = arith.index_cast %add3A_193 : i32 to index
      %get3A_195 = arith.constant 0 : index
      %get3A_196 = tpu.vector_load %arg7[%get3A_194, %get3A_195] {strides = array<i32>} : memref<200x128xf32, #tpu.memory_space<vmem>>, vector<1x16xf32>,
      %get3A_197 = vector.shape_cast %get3A_196 : vector<1x16xf32> to vector<16xf32>
      %add3A_198 = arith.addf %add3A_172, %get3A_197 : vector<16xf32>
      %get3A_199 = arith.index_cast %add3A_193 : i32 to index
      %get3A_200 = arith.constant 16 : index
      %get3A_201 = tpu.vector_load %arg7[%get3A_199, %get3A_200] {strides = array<i32>} : memref<200x128xf32, #tpu.memory_space<vmem>>, vector<1x16xf32>,
      %get3A_202 = vector.shape_cast %get3A_201 : vector<1x16xf32> to vector<16xf32>
      %add3A_203 = arith.addf %add3A_177, %get3A_202 : vector<16xf32>
      %get3A_204 = arith.index_cast %add3A_193 : i32 to index
      %get3A_205 = arith.constant 32 : index
      %get3A_206 = tpu.vector_load %arg7[%get3A_204, %get3A_205] {strides = array<i32>} : memref<200x128xf32, #tpu.memory_space<vmem>>, vector<1x16xf32>,
      %get3A_207 = vector.shape_cast %get3A_206 : vector<1x16xf32> to vector<16xf32>
      %add3A_208 = arith.addf %add3A_182, %get3A_207 : vector<16xf32>
      %get3A_209 = arith.index_cast %add3A_193 : i32 to index
      %get3A_210 = arith.constant 48 : index
      %get3A_211 = tpu.vector_load %arg7[%get3A_209, %get3A_210] {strides = array<i32>} : memref<200x128xf32, #tpu.memory_space<vmem>>, vector<1x16xf32>,
      %get3A_212 = vector.shape_cast %get3A_211 : vector<1x16xf32> to vector<16xf32>
      %add3A_213 = arith.addf %add3A_187, %get3A_212 : vector<16xf32>
      %scan3A_214 = arith.constant 2 : i32
      %scan3A_215 = arith.addi %scan3A_159, %scan3A_214 : i32
      %mul3A_216 = arith.constant 1 : i32
      %mul3A_217 = arith.muli %scan3A_215, %mul3A_216 : i32
      %add3A_218 = arith.constant 0 : i32
      %add3A_219 = arith.addi %add3A_218, %mul3A_217 : i32
      %get3A_220 = arith.index_cast %add3A_219 : i32 to index
      %get3A_221 = arith.constant 0 : index
      %get3A_222 = tpu.vector_load %arg7[%get3A_220, %get3A_221] {strides = array<i32>} : memref<200x128xf32, #tpu.memory_space<vmem>>, vector<1x16xf32>,
      %get3A_223 = vector.shape_cast %get3A_222 : vector<1x16xf32> to vector<16xf32>
      %add3A_224 = arith.addf %add3A_198, %get3A_223 : vector<16xf32>
      %get3A_225 = arith.index_cast %add3A_219 : i32 to index
      %get3A_226 = arith.constant 16 : index
      %get3A_227 = tpu.vector_load %arg7[%get3A_225, %get3A_226] {strides = array<i32>} : memref<200x128xf32, #tpu.memory_space<vmem>>, vector<1x16xf32>,
      %get3A_228 = vector.shape_cast %get3A_227 : vector<1x16xf32> to vector<16xf32>
      %add3A_229 = arith.addf %add3A_203, %get3A_228 : vector<16xf32>
      %get3A_230 = arith.index_cast %add3A_219 : i32 to index
      %get3A_231 = arith.constant 32 : index
      %get3A_232 = tpu.vector_load %arg7[%get3A_230, %get3A_231] {strides = array<i32>} : memref<200x128xf32, #tpu.memory_space<vmem>>, vector<1x16xf32>,
      %get3A_233 = vector.shape_cast %get3A_232 : vector<1x16xf32> to vector<16xf32>
      %add3A_234 = arith.addf %add3A_208, %get3A_233 : vector<16xf32>
      %get3A_235 = arith.index_cast %add3A_219 : i32 to index
      %get3A_236 = arith.constant 48 : index
      %get3A_237 = tpu.vector_load %arg7[%get3A_235, %get3A_236] {strides = array<i32>} : memref<200x128xf32, #tpu.memory_space<vmem>>, vector<1x16xf32>,
      %get3A_238 = vector.shape_cast %get3A_237 : vector<1x16xf32> to vector<16xf32>
      %add3A_239 = arith.addf %add3A_213, %get3A_238 : vector<16xf32>
      %scan3A_240 = arith.constant 3 : i32
      %scan3A_241 = arith.addi %scan3A_159, %scan3A_240 : i32
      %mul3A_242 = arith.constant 1 : i32
      %mul3A_243 = arith.muli %scan3A_241, %mul3A_242 : i32
      %add3A_244 = arith.constant 0 : i32
      %add3A_245 = arith.addi %add3A_244, %mul3A_243 : i32
      %get3A_246 = arith.index_cast %add3A_245 : i32 to index
      %get3A_247 = arith.constant 0 : index
      %get3A_248 = tpu.vector_load %arg7[%get3A_246, %get3A_247] {strides = array<i32>} : memref<200x128xf32, #tpu.memory_space<vmem>>, vector<1x16xf32>,
      %get3A_249 = vector.shape_cast %get3A_248 : vector<1x16xf32> to vector<16xf32>
      %add3A_250 = arith.addf %add3A_224, %get3A_249 : vector<16xf32>
      %get3A_251 = arith.index_cast %add3A_245 : i32 to index
      %get3A_252 = arith.constant 16 : index
      %get3A_253 = tpu.vector_load %arg7[%get3A_251, %get3A_252] {strides = array<i32>} : memref<200x128xf32, #tpu.memory_space<vmem>>, vector<1x16xf32>,
      %get3A_254 = vector.shape_cast %get3A_253 : vector<1x16xf32> to vector<16xf32>
      %add3A_255 = arith.addf %add3A_229, %get3A_254 : vector<16xf32>
      %get3A_256 = arith.index_cast %add3A_245 : i32 to index
      %get3A_257 = arith.constant 32 : index
      %get3A_258 = tpu.vector_load %arg7[%get3A_256, %get3A_257] {strides = array<i32>} : memref<200x128xf32, #tpu.memory_space<vmem>>, vector<1x16xf32>,
      %get3A_259 = vector.shape_cast %get3A_258 : vector<1x16xf32> to vector<16xf32>
      %add3A_260 = arith.addf %add3A_234, %get3A_259 : vector<16xf32>
      %get3A_261 = arith.index_cast %add3A_245 : i32 to index
      %get3A_262 = arith.constant 48 : index
      %get3A_263 = tpu.vector_load %arg7[%get3A_261, %get3A_262] {strides = array<i32>} : memref<200x128xf32, #tpu.memory_space<vmem>>, vector<1x16xf32>,
      %get3A_264 = vector.shape_cast %get3A_263 : vector<1x16xf32> to vector<16xf32>
      %add3A_265 = arith.addf %add3A_239, %get3A_264 : vector<16xf32>
      %scan3A_266 = arith.constant 4 : i32
      %scan3A_267 = arith.addi %scan3A_159, %scan3A_266 : i32
      %mul3A_268 = arith.constant 1 : i32
      %mul3A_269 = arith.muli %scan3A_267, %mul3A_268 : i32
      %add3A_270 = arith.constant 0 : i32
      %add3A_271 = arith.addi %add3A_270, %mul3A_269 : i32
      %get3A_272 = arith.index_cast %add3A_271 : i32 to index
      %get3A_273 = arith.constant 0 : index
      %get3A_274 = tpu.vector_load %arg7[%get3A_272, %get3A_273] {strides = array<i32>} : memref<200x128xf32, #tpu.memory_space<vmem>>, vector<1x16xf32>,
      %get3A_275 = vector.shape_cast %get3A_274 : vector<1x16xf32> to vector<16xf32>
      %add3A_276 = arith.addf %add3A_250, %get3A_275 : vector<16xf32>
      %get3A_277 = arith.index_cast %add3A_271 : i32 to index
      %get3A_278 = arith.constant 16 : index
      %get3A_279 = tpu.vector_load %arg7[%get3A_277, %get3A_278] {strides = array<i32>} : memref<200x128xf32, #tpu.memory_space<vmem>>, vector<1x16xf32>,
      %get3A_280 = vector.shape_cast %get3A_279 : vector<1x16xf32> to vector<16xf32>
      %add3A_281 = arith.addf %add3A_255, %get3A_280 : vector<16xf32>
      %get3A_282 = arith.index_cast %add3A_271 : i32 to index
      %get3A_283 = arith.constant 32 : index
      %get3A_284 = tpu.vector_load %arg7[%get3A_282, %get3A_283] {strides = array<i32>} : memref<200x128xf32, #tpu.memory_space<vmem>>, vector<1x16xf32>,
      %get3A_285 = vector.shape_cast %get3A_284 : vector<1x16xf32> to vector<16xf32>
      %add3A_286 = arith.addf %add3A_260, %get3A_285 : vector<16xf32>
      %get3A_287 = arith.index_cast %add3A_271 : i32 to index
      %get3A_288 = arith.constant 48 : index
      %get3A_289 = tpu.vector_load %arg7[%get3A_287, %get3A_288] {strides = array<i32>} : memref<200x128xf32, #tpu.memory_space<vmem>>, vector<1x16xf32>,
      %get3A_290 = vector.shape_cast %get3A_289 : vector<1x16xf32> to vector<16xf32>
      %add3A_291 = arith.addf %add3A_265, %get3A_290 : vector<16xf32>
      %scan3A_292 = arith.constant 5 : i32
      %scan3A_293 = arith.addi %scan3A_159, %scan3A_292 : i32
      %mul3A_294 = arith.constant 1 : i32
      %mul3A_295 = arith.muli %scan3A_293, %mul3A_294 : i32
      %add3A_296 = arith.constant 0 : i32
      %add3A_297 = arith.addi %add3A_296, %mul3A_295 : i32
      %get3A_298 = arith.index_cast %add3A_297 : i32 to index
      %get3A_299 = arith.constant 0 : index
      %get3A_300 = tpu.vector_load %arg7[%get3A_298, %get3A_299] {strides = array<i32>} : memref<200x128xf32, #tpu.memory_space<vmem>>, vector<1x16xf32>,
      %get3A_301 = vector.shape_cast %get3A_300 : vector<1x16xf32> to vector<16xf32>
      %add3A_302 = arith.addf %add3A_276, %get3A_301 : vector<16xf32>
      %get3A_303 = arith.index_cast %add3A_297 : i32 to index
      %get3A_304 = arith.constant 16 : index
      %get3A_305 = tpu.vector_load %arg7[%get3A_303, %get3A_304] {strides = array<i32>} : memref<200x128xf32, #tpu.memory_space<vmem>>, vector<1x16xf32>,
      %get3A_306 = vector.shape_cast %get3A_305 : vector<1x16xf32> to vector<16xf32>
      %add3A_307 = arith.addf %add3A_281, %get3A_306 : vector<16xf32>
      %get3A_308 = arith.index_cast %add3A_297 : i32 to index
      %get3A_309 = arith.constant 32 : index
      %get3A_310 = tpu.vector_load %arg7[%get3A_308, %get3A_309] {strides = array<i32>} : memref<200x128xf32, #tpu.memory_space<vmem>>, vector<1x16xf32>,
      %get3A_311 = vector.shape_cast %get3A_310 : vector<1x16xf32> to vector<16xf32>
      %add3A_312 = arith.addf %add3A_286, %get3A_311 : vector<16xf32>
      %get3A_313 = arith.index_cast %add3A_297 : i32 to index
      %get3A_314 = arith.constant 48 : index
      %get3A_315 = tpu.vector_load %arg7[%get3A_313, %get3A_314] {strides = array<i32>} : memref<200x128xf32, #tpu.memory_space<vmem>>, vector<1x16xf32>,
      %get3A_316 = vector.shape_cast %get3A_315 : vector<1x16xf32> to vector<16xf32>
      %add3A_317 = arith.addf %add3A_291, %get3A_316 : vector<16xf32>
      %scan3A_318 = arith.constant 6 : i32
      %scan3A_319 = arith.addi %scan3A_159, %scan3A_318 : i32
      %mul3A_320 = arith.constant 1 : i32
      %mul3A_321 = arith.muli %scan3A_319, %mul3A_320 : i32
      %add3A_322 = arith.constant 0 : i32
      %add3A_323 = arith.addi %add3A_322, %mul3A_321 : i32
      %get3A_324 = arith.index_cast %add3A_323 : i32 to index
      %get3A_325 = arith.constant 0 : index
      %get3A_326 = tpu.vector_load %arg7[%get3A_324, %get3A_325] {strides = array<i32>} : memref<200x128xf32, #tpu.memory_space<vmem>>, vector<1x16xf32>,
      %get3A_327 = vector.shape_cast %get3A_326 : vector<1x16xf32> to vector<16xf32>
      %add3A_328 = arith.addf %add3A_302, %get3A_327 : vector<16xf32>
      %get3A_329 = arith.index_cast %add3A_323 : i32 to index
      %get3A_330 = arith.constant 16 : index
      %get3A_331 = tpu.vector_load %arg7[%get3A_329, %get3A_330] {strides = array<i32>} : memref<200x128xf32, #tpu.memory_space<vmem>>, vector<1x16xf32>,
      %get3A_332 = vector.shape_cast %get3A_331 : vector<1x16xf32> to vector<16xf32>
      %add3A_333 = arith.addf %add3A_307, %get3A_332 : vector<16xf32>
      %get3A_334 = arith.index_cast %add3A_323 : i32 to index
      %get3A_335 = arith.constant 32 : index
      %get3A_336 = tpu.vector_load %arg7[%get3A_334, %get3A_335] {strides = array<i32>} : memref<200x128xf32, #tpu.memory_space<vmem>>, vector<1x16xf32>,
      %get3A_337 = vector.shape_cast %get3A_336 : vector<1x16xf32> to vector<16xf32>
      %add3A_338 = arith.addf %add3A_312, %get3A_337 : vector<16xf32>
      %get3A_339 = arith.index_cast %add3A_323 : i32 to index
      %get3A_340 = arith.constant 48 : index
      %get3A_341 = tpu.vector_load %arg7[%get3A_339, %get3A_340] {strides = array<i32>} : memref<200x128xf32, #tpu.memory_space<vmem>>, vector<1x16xf32>,
      %get3A_342 = vector.shape_cast %get3A_341 : vector<1x16xf32> to vector<16xf32>
      %add3A_343 = arith.addf %add3A_317, %get3A_342 : vector<16xf32>
      %scan3A_344 = arith.constant 7 : i32
      %scan3A_345 = arith.addi %scan3A_159, %scan3A_344 : i32
      %mul3A_346 = arith.constant 1 : i32
      %mul3A_347 = arith.muli %scan3A_345, %mul3A_346 : i32
      %add3A_348 = arith.constant 0 : i32
      %add3A_349 = arith.addi %add3A_348, %mul3A_347 : i32
      %get3A_350 = arith.index_cast %add3A_349 : i32 to index
      %get3A_351 = arith.constant 0 : index
      %get3A_352 = tpu.vector_load %arg7[%get3A_350, %get3A_351] {strides = array<i32>} : memref<200x128xf32, #tpu.memory_space<vmem>>, vector<1x16xf32>,
      %get3A_353 = vector.shape_cast %get3A_352 : vector<1x16xf32> to vector<16xf32>
      %add3A_354 = arith.addf %add3A_328, %get3A_353 : vector<16xf32>
      %get3A_355 = arith.index_cast %add3A_349 : i32 to index
      %get3A_356 = arith.constant 16 : index
      %get3A_357 = tpu.vector_load %arg7[%get3A_355, %get3A_356] {strides = array<i32>} : memref<200x128xf32, #tpu.memory_space<vmem>>, vector<1x16xf32>,
      %get3A_358 = vector.shape_cast %get3A_357 : vector<1x16xf32> to vector<16xf32>
      %add3A_359 = arith.addf %add3A_333, %get3A_358 : vector<16xf32>
      %get3A_360 = arith.index_cast %add3A_349 : i32 to index
      %get3A_361 = arith.constant 32 : index
      %get3A_362 = tpu.vector_load %arg7[%get3A_360, %get3A_361] {strides = array<i32>} : memref<200x128xf32, #tpu.memory_space<vmem>>, vector<1x16xf32>,
      %get3A_363 = vector.shape_cast %get3A_362 : vector<1x16xf32> to vector<16xf32>
      %add3A_364 = arith.addf %add3A_338, %get3A_363 : vector<16xf32>
      %get3A_365 = arith.index_cast %add3A_349 : i32 to index
      %get3A_366 = arith.constant 48 : index
      %get3A_367 = tpu.vector_load %arg7[%get3A_365, %get3A_366] {strides = array<i32>} : memref<200x128xf32, #tpu.memory_space<vmem>>, vector<1x16xf32>,
      %get3A_368 = vector.shape_cast %get3A_367 : vector<1x16xf32> to vector<16xf32>
      %add3A_369 = arith.addf %add3A_343, %get3A_368 : vector<16xf32>
      scf.yield %add3A_354, %add3A_359, %add3A_364, %add3A_369 : vector<16xf32>, vector<16xf32>, vector<16xf32>, vector<16xf32>
    }
    %scan3A_79 = arith.constant 200 : i32
    %mul3A_80 = vector.broadcast %squeeze3A : f32 to vector<16xf32>
    %mul3A_81 = arith.mulf %scan3A_78#0, %mul3A_80 : vector<16xf32>
    %swap3A = arith.constant 126 : i32
    %swap3A_82 = arith.index_cast %swap3A : i32 to index
    %swap3A_83 = arith.constant 0 : index
    %swap3A_84 = tpu.vector_load %arg10[%swap3A_82, %swap3A_83] {strides = array<i32>} : memref<128x64xf32, #tpu.memory_space<vmem>>, vector<1x16xf32>,
    %swap3A_85 = vector.shape_cast %swap3A_84 : vector<1x16xf32> to vector<16xf32>
    %swap3A_86 = vector.shape_cast %mul3A_81 : vector<16xf32> to vector<1x16xf32>
    tpu.vector_store %arg10[%swap3A_82, %swap3A_83], %swap3A_86 {strides = array<i32>} : memref<128x64xf32, #tpu.memory_space<vmem>>, vector<1x16xf32>,
    %mul3A_87 = vector.broadcast %squeeze3A : f32 to vector<16xf32>
    %mul3A_88 = arith.mulf %scan3A_78#1, %mul3A_87 : vector<16xf32>
    %swap3A_89 = arith.constant 126 : i32
    %swap3A_90 = arith.index_cast %swap3A_89 : i32 to index
    %swap3A_91 = arith.constant 16 : index
    %swap3A_92 = tpu.vector_load %arg10[%swap3A_90, %swap3A_91] {strides = array<i32>} : memref<128x64xf32, #tpu.memory_space<vmem>>, vector<1x16xf32>,
    %swap3A_93 = vector.shape_cast %swap3A_92 : vector<1x16xf32> to vector<16xf32>
    %swap3A_94 = vector.shape_cast %mul3A_88 : vector<16xf32> to vector<1x16xf32>
    tpu.vector_store %arg10[%swap3A_90, %swap3A_91], %swap3A_94 {strides = array<i32>} : memref<128x64xf32, #tpu.memory_space<vmem>>, vector<1x16xf32>,
    %mul3A_95 = vector.broadcast %squeeze3A : f32 to vector<16xf32>
    %mul3A_96 = arith.mulf %scan3A_78#2, %mul3A_95 : vector<16xf32>
    %swap3A_97 = arith.constant 126 : i32
    %swap3A_98 = arith.index_cast %swap3A_97 : i32 to index
    %swap3A_99 = arith.constant 32 : index
    %swap3A_100 = tpu.vector_load %arg10[%swap3A_98, %swap3A_99] {strides = array<i32>} : memref<128x64xf32, #tpu.memory_space<vmem>>, vector<1x16xf32>,
    %swap3A_101 = vector.shape_cast %swap3A_100 : vector<1x16xf32> to vector<16xf32>
    %swap3A_102 = vector.shape_cast %mul3A_96 : vector<16xf32> to vector<1x16xf32>
    tpu.vector_store %arg10[%swap3A_98, %swap3A_99], %swap3A_102 {strides = array<i32>} : memref<128x64xf32, #tpu.memory_space<vmem>>, vector<1x16xf32>,
    %mul3A_103 = vector.broadcast %squeeze3A : f32 to vector<16xf32>
    %mul3A_104 = arith.mulf %scan3A_78#3, %mul3A_103 : vector<16xf32>
    %swap3A_105 = arith.constant 126 : i32
    %swap3A_106 = arith.index_cast %swap3A_105 : i32 to index
    %swap3A_107 = arith.constant 48 : index
    %swap3A_108 = tpu.vector_load %arg10[%swap3A_106, %swap3A_107] {strides = array<i32>} : memref<128x64xf32, #tpu.memory_space<vmem>>, vector<1x16xf32>,
    %swap3A_109 = vector.shape_cast %swap3A_108 : vector<1x16xf32> to vector<16xf32>
    %swap3A_110 = vector.shape_cast %mul3A_104 : vector<16xf32> to vector<1x16xf32>
    tpu.vector_store %arg10[%swap3A_106, %swap3A_107], %swap3A_110 {strides = array<i32>} : memref<128x64xf32, #tpu.memory_space<vmem>>, vector<1x16xf32>,
    %dma_wait3A_111 = arith.constant 0 : i32
    %dma_wait3A_112 = arith.constant 0 : i32
    %dma_wait3A_113 = tpu.memref_slice %arg3[%dma_wait3A_111, %dma_wait3A_112] : memref<1000000x128xf32, #tpu.memory_space<hbm>> -> memref<200x128xf32, #tpu.memory_space<hbm>>
    %dma_wait3A_114 = arith.constant 0 : i32
    %dma_wait3A_115 = arith.constant 0 : i32
    %dma_wait3A_116 = tpu.memref_slice %arg3[%dma_wait3A_114, %dma_wait3A_115] : memref<1000000x128xf32, #tpu.memory_space<hbm>> -> memref<200x128xf32, #tpu.memory_space<hbm>>
    tpu.wait_dma2 semaphore(%arg12 : memref<!tpu.dma_semaphore, #tpu.memory_space<semaphore_mem>>) src(%dma_wait3A_116 : memref<200x128xf32, #tpu.memory_space<hbm>>) dst(%arg8 : memref<200x128xf32, #tpu.memory_space<vmem>>)
    %broadcast_in_dim3A_117 = arith.constant 0.000000e+00 : f32
    %broadcast_in_dim3A_118 = vector.broadcast %broadcast_in_dim3A_117 : f32 to vector<16xf32>
    %scan3A_119 = arith.constant 0 : i32
    %scan3A_120 = arith.constant 200 : i32
    %scan3A_121 = arith.addi %scan3A_119, %scan3A_120 : i32
    %scan3A_122 = arith.constant 8 : i32
    %scan3A_123:4 = scf.for %scan3A_159 = %scan3A_119 to %scan3A_121 step %scan3A_122 iter_args(%scan3A_160 = %broadcast_in_dim3A_118, %scan3A_161 = %broadcast_in_dim3A_118, %scan3A_162 = %broadcast_in_dim3A_118, %scan3A_163 = %broadcast_in_dim3A_118) -> (vector<16xf32>, vector<16xf32>, vector<16xf32>, vector<16xf32>)  : i32 {
      %mul3A_164 = arith.constant 1 : i32
      %mul3A_165 = arith.muli %scan3A_159, %mul3A_164 : i32
      %add3A_166 = arith.constant 0 : i32
      %add3A_167 = arith.addi %add3A_166, %mul3A_165 : i32
      %get3A_168 = arith.index_cast %add3A_167 : i32 to index
      %get3A_169 = arith.constant 0 : index
      %get3A_170 = tpu.vector_load %arg8[%get3A_168, %get3A_169] {strides = array<i32>} : memref<200x128xf32, #tpu.memory_space<vmem>>, vector<1x16xf32>,
      %get3A_171 = vector.shape_cast %get3A_170 : vector<1x16xf32> to vector<16xf32>
      %add3A_172 = arith.addf %scan3A_160, %get3A_171 : vector<16xf32>
      %get3A_173 = arith.index_cast %add3A_167 : i32 to index
      %get3A_174 = arith.constant 16 : index
      %get3A_175 = tpu.vector_load %arg8[%get3A_173, %get3A_174] {strides = array<i32>} : memref<200x128xf32, #tpu.memory_space<vmem>>, vector<1x16xf32>,
      %get3A_176 = vector.shape_cast %get3A_175 : vector<1x16xf32> to vector<16xf32>
      %add3A_177 = arith.addf %scan3A_161, %get3A_176 : vector<16xf32>
      %get3A_178 = arith.index_cast %add3A_167 : i32 to index
      %get3A_179 = arith.constant 32 : index
      %get3A_180 = tpu.vector_load %arg8[%get3A_178, %get3A_179] {strides = array<i32>} : memref<200x128xf32, #tpu.memory_space<vmem>>, vector<1x16xf32>,
      %get3A_181 = vector.shape_cast %get3A_180 : vector<1x16xf32> to vector<16xf32>
      %add3A_182 = arith.addf %scan3A_162, %get3A_181 : vector<16xf32>
      %get3A_183 = arith.index_cast %add3A_167 : i32 to index
      %get3A_184 = arith.constant 48 : index
      %get3A_185 = tpu.vector_load %arg8[%get3A_183, %get3A_184] {strides = array<i32>} : memref<200x128xf32, #tpu.memory_space<vmem>>, vector<1x16xf32>,
      %get3A_186 = vector.shape_cast %get3A_185 : vector<1x16xf32> to vector<16xf32>
      %add3A_187 = arith.addf %scan3A_163, %get3A_186 : vector<16xf32>
      %scan3A_188 = arith.constant 1 : i32
      %scan3A_189 = arith.addi %scan3A_159, %scan3A_188 : i32
      %mul3A_190 = arith.constant 1 : i32
      %mul3A_191 = arith.muli %scan3A_189, %mul3A_190 : i32
      %add3A_192 = arith.constant 0 : i32
      %add3A_193 = arith.addi %add3A_192, %mul3A_191 : i32
      %get3A_194 = arith.index_cast %add3A_193 : i32 to index
      %get3A_195 = arith.constant 0 : index
      %get3A_196 = tpu.vector_load %arg8[%get3A_194, %get3A_195] {strides = array<i32>} : memref<200x128xf32, #tpu.memory_space<vmem>>, vector<1x16xf32>,
      %get3A_197 = vector.shape_cast %get3A_196 : vector<1x16xf32> to vector<16xf32>
      %add3A_198 = arith.addf %add3A_172, %get3A_197 : vector<16xf32>
      %get3A_199 = arith.index_cast %add3A_193 : i32 to index
      %get3A_200 = arith.constant 16 : index
      %get3A_201 = tpu.vector_load %arg8[%get3A_199, %get3A_200] {strides = array<i32>} : memref<200x128xf32, #tpu.memory_space<vmem>>, vector<1x16xf32>,
      %get3A_202 = vector.shape_cast %get3A_201 : vector<1x16xf32> to vector<16xf32>
      %add3A_203 = arith.addf %add3A_177, %get3A_202 : vector<16xf32>
      %get3A_204 = arith.index_cast %add3A_193 : i32 to index
      %get3A_205 = arith.constant 32 : index
      %get3A_206 = tpu.vector_load %arg8[%get3A_204, %get3A_205] {strides = array<i32>} : memref<200x128xf32, #tpu.memory_space<vmem>>, vector<1x16xf32>,
      %get3A_207 = vector.shape_cast %get3A_206 : vector<1x16xf32> to vector<16xf32>
      %add3A_208 = arith.addf %add3A_182, %get3A_207 : vector<16xf32>
      %get3A_209 = arith.index_cast %add3A_193 : i32 to index
      %get3A_210 = arith.constant 48 : index
      %get3A_211 = tpu.vector_load %arg8[%get3A_209, %get3A_210] {strides = array<i32>} : memref<200x128xf32, #tpu.memory_space<vmem>>, vector<1x16xf32>,
      %get3A_212 = vector.shape_cast %get3A_211 : vector<1x16xf32> to vector<16xf32>
      %add3A_213 = arith.addf %add3A_187, %get3A_212 : vector<16xf32>
      %scan3A_214 = arith.constant 2 : i32
      %scan3A_215 = arith.addi %scan3A_159, %scan3A_214 : i32
      %mul3A_216 = arith.constant 1 : i32
      %mul3A_217 = arith.muli %scan3A_215, %mul3A_216 : i32
      %add3A_218 = arith.constant 0 : i32
      %add3A_219 = arith.addi %add3A_218, %mul3A_217 : i32
      %get3A_220 = arith.index_cast %add3A_219 : i32 to index
      %get3A_221 = arith.constant 0 : index
      %get3A_222 = tpu.vector_load %arg8[%get3A_220, %get3A_221] {strides = array<i32>} : memref<200x128xf32, #tpu.memory_space<vmem>>, vector<1x16xf32>,
      %get3A_223 = vector.shape_cast %get3A_222 : vector<1x16xf32> to vector<16xf32>
      %add3A_224 = arith.addf %add3A_198, %get3A_223 : vector<16xf32>
      %get3A_225 = arith.index_cast %add3A_219 : i32 to index
      %get3A_226 = arith.constant 16 : index
      %get3A_227 = tpu.vector_load %arg8[%get3A_225, %get3A_226] {strides = array<i32>} : memref<200x128xf32, #tpu.memory_space<vmem>>, vector<1x16xf32>,
      %get3A_228 = vector.shape_cast %get3A_227 : vector<1x16xf32> to vector<16xf32>
      %add3A_229 = arith.addf %add3A_203, %get3A_228 : vector<16xf32>
      %get3A_230 = arith.index_cast %add3A_219 : i32 to index
      %get3A_231 = arith.constant 32 : index
      %get3A_232 = tpu.vector_load %arg8[%get3A_230, %get3A_231] {strides = array<i32>} : memref<200x128xf32, #tpu.memory_space<vmem>>, vector<1x16xf32>,
      %get3A_233 = vector.shape_cast %get3A_232 : vector<1x16xf32> to vector<16xf32>
      %add3A_234 = arith.addf %add3A_208, %get3A_233 : vector<16xf32>
      %get3A_235 = arith.index_cast %add3A_219 : i32 to index
      %get3A_236 = arith.constant 48 : index
      %get3A_237 = tpu.vector_load %arg8[%get3A_235, %get3A_236] {strides = array<i32>} : memref<200x128xf32, #tpu.memory_space<vmem>>, vector<1x16xf32>,
      %get3A_238 = vector.shape_cast %get3A_237 : vector<1x16xf32> to vector<16xf32>
      %add3A_239 = arith.addf %add3A_213, %get3A_238 : vector<16xf32>
      %scan3A_240 = arith.constant 3 : i32
      %scan3A_241 = arith.addi %scan3A_159, %scan3A_240 : i32
      %mul3A_242 = arith.constant 1 : i32
      %mul3A_243 = arith.muli %scan3A_241, %mul3A_242 : i32
      %add3A_244 = arith.constant 0 : i32
      %add3A_245 = arith.addi %add3A_244, %mul3A_243 : i32
      %get3A_246 = arith.index_cast %add3A_245 : i32 to index
      %get3A_247 = arith.constant 0 : index
      %get3A_248 = tpu.vector_load %arg8[%get3A_246, %get3A_247] {strides = array<i32>} : memref<200x128xf32, #tpu.memory_space<vmem>>, vector<1x16xf32>,
      %get3A_249 = vector.shape_cast %get3A_248 : vector<1x16xf32> to vector<16xf32>
      %add3A_250 = arith.addf %add3A_224, %get3A_249 : vector<16xf32>
      %get3A_251 = arith.index_cast %add3A_245 : i32 to index
      %get3A_252 = arith.constant 16 : index
      %get3A_253 = tpu.vector_load %arg8[%get3A_251, %get3A_252] {strides = array<i32>} : memref<200x128xf32, #tpu.memory_space<vmem>>, vector<1x16xf32>,
      %get3A_254 = vector.shape_cast %get3A_253 : vector<1x16xf32> to vector<16xf32>
      %add3A_255 = arith.addf %add3A_229, %get3A_254 : vector<16xf32>
      %get3A_256 = arith.index_cast %add3A_245 : i32 to index
      %get3A_257 = arith.constant 32 : index
      %get3A_258 = tpu.vector_load %arg8[%get3A_256, %get3A_257] {strides = array<i32>} : memref<200x128xf32, #tpu.memory_space<vmem>>, vector<1x16xf32>,
      %get3A_259 = vector.shape_cast %get3A_258 : vector<1x16xf32> to vector<16xf32>
      %add3A_260 = arith.addf %add3A_234, %get3A_259 : vector<16xf32>
      %get3A_261 = arith.index_cast %add3A_245 : i32 to index
      %get3A_262 = arith.constant 48 : index
      %get3A_263 = tpu.vector_load %arg8[%get3A_261, %get3A_262] {strides = array<i32>} : memref<200x128xf32, #tpu.memory_space<vmem>>, vector<1x16xf32>,
      %get3A_264 = vector.shape_cast %get3A_263 : vector<1x16xf32> to vector<16xf32>
      %add3A_265 = arith.addf %add3A_239, %get3A_264 : vector<16xf32>
      %scan3A_266 = arith.constant 4 : i32
      %scan3A_267 = arith.addi %scan3A_159, %scan3A_266 : i32
      %mul3A_268 = arith.constant 1 : i32
      %mul3A_269 = arith.muli %scan3A_267, %mul3A_268 : i32
      %add3A_270 = arith.constant 0 : i32
      %add3A_271 = arith.addi %add3A_270, %mul3A_269 : i32
      %get3A_272 = arith.index_cast %add3A_271 : i32 to index
      %get3A_273 = arith.constant 0 : index
      %get3A_274 = tpu.vector_load %arg8[%get3A_272, %get3A_273] {strides = array<i32>} : memref<200x128xf32, #tpu.memory_space<vmem>>, vector<1x16xf32>,
      %get3A_275 = vector.shape_cast %get3A_274 : vector<1x16xf32> to vector<16xf32>
      %add3A_276 = arith.addf %add3A_250, %get3A_275 : vector<16xf32>
      %get3A_277 = arith.index_cast %add3A_271 : i32 to index
      %get3A_278 = arith.constant 16 : index
      %get3A_279 = tpu.vector_load %arg8[%get3A_277, %get3A_278] {strides = array<i32>} : memref<200x128xf32, #tpu.memory_space<vmem>>, vector<1x16xf32>,
      %get3A_280 = vector.shape_cast %get3A_279 : vector<1x16xf32> to vector<16xf32>
      %add3A_281 = arith.addf %add3A_255, %get3A_280 : vector<16xf32>
      %get3A_282 = arith.index_cast %add3A_271 : i32 to index
      %get3A_283 = arith.constant 32 : index
      %get3A_284 = tpu.vector_load %arg8[%get3A_282, %get3A_283] {strides = array<i32>} : memref<200x128xf32, #tpu.memory_space<vmem>>, vector<1x16xf32>,
      %get3A_285 = vector.shape_cast %get3A_284 : vector<1x16xf32> to vector<16xf32>
      %add3A_286 = arith.addf %add3A_260, %get3A_285 : vector<16xf32>
      %get3A_287 = arith.index_cast %add3A_271 : i32 to index
      %get3A_288 = arith.constant 48 : index
      %get3A_289 = tpu.vector_load %arg8[%get3A_287, %get3A_288] {strides = array<i32>} : memref<200x128xf32, #tpu.memory_space<vmem>>, vector<1x16xf32>,
      %get3A_290 = vector.shape_cast %get3A_289 : vector<1x16xf32> to vector<16xf32>
      %add3A_291 = arith.addf %add3A_265, %get3A_290 : vector<16xf32>
      %scan3A_292 = arith.constant 5 : i32
      %scan3A_293 = arith.addi %scan3A_159, %scan3A_292 : i32
      %mul3A_294 = arith.constant 1 : i32
      %mul3A_295 = arith.muli %scan3A_293, %mul3A_294 : i32
      %add3A_296 = arith.constant 0 : i32
      %add3A_297 = arith.addi %add3A_296, %mul3A_295 : i32
      %get3A_298 = arith.index_cast %add3A_297 : i32 to index
      %get3A_299 = arith.constant 0 : index
      %get3A_300 = tpu.vector_load %arg8[%get3A_298, %get3A_299] {strides = array<i32>} : memref<200x128xf32, #tpu.memory_space<vmem>>, vector<1x16xf32>,
      %get3A_301 = vector.shape_cast %get3A_300 : vector<1x16xf32> to vector<16xf32>
      %add3A_302 = arith.addf %add3A_276, %get3A_301 : vector<16xf32>
      %get3A_303 = arith.index_cast %add3A_297 : i32 to index
      %get3A_304 = arith.constant 16 : index
      %get3A_305 = tpu.vector_load %arg8[%get3A_303, %get3A_304] {strides = array<i32>} : memref<200x128xf32, #tpu.memory_space<vmem>>, vector<1x16xf32>,
      %get3A_306 = vector.shape_cast %get3A_305 : vector<1x16xf32> to vector<16xf32>
      %add3A_307 = arith.addf %add3A_281, %get3A_306 : vector<16xf32>
      %get3A_308 = arith.index_cast %add3A_297 : i32 to index
      %get3A_309 = arith.constant 32 : index
      %get3A_310 = tpu.vector_load %arg8[%get3A_308, %get3A_309] {strides = array<i32>} : memref<200x128xf32, #tpu.memory_space<vmem>>, vector<1x16xf32>,
      %get3A_311 = vector.shape_cast %get3A_310 : vector<1x16xf32> to vector<16xf32>
      %add3A_312 = arith.addf %add3A_286, %get3A_311 : vector<16xf32>
      %get3A_313 = arith.index_cast %add3A_297 : i32 to index
      %get3A_314 = arith.constant 48 : index
      %get3A_315 = tpu.vector_load %arg8[%get3A_313, %get3A_314] {strides = array<i32>} : memref<200x128xf32, #tpu.memory_space<vmem>>, vector<1x16xf32>,
      %get3A_316 = vector.shape_cast %get3A_315 : vector<1x16xf32> to vector<16xf32>
      %add3A_317 = arith.addf %add3A_291, %get3A_316 : vector<16xf32>
      %scan3A_318 = arith.constant 6 : i32
      %scan3A_319 = arith.addi %scan3A_159, %scan3A_318 : i32
      %mul3A_320 = arith.constant 1 : i32
      %mul3A_321 = arith.muli %scan3A_319, %mul3A_320 : i32
      %add3A_322 = arith.constant 0 : i32
      %add3A_323 = arith.addi %add3A_322, %mul3A_321 : i32
      %get3A_324 = arith.index_cast %add3A_323 : i32 to index
      %get3A_325 = arith.constant 0 : index
      %get3A_326 = tpu.vector_load %arg8[%get3A_324, %get3A_325] {strides = array<i32>} : memref<200x128xf32, #tpu.memory_space<vmem>>, vector<1x16xf32>,
      %get3A_327 = vector.shape_cast %get3A_326 : vector<1x16xf32> to vector<16xf32>
      %add3A_328 = arith.addf %add3A_302, %get3A_327 : vector<16xf32>
      %get3A_329 = arith.index_cast %add3A_323 : i32 to index
      %get3A_330 = arith.constant 16 : index
      %get3A_331 = tpu.vector_load %arg8[%get3A_329, %get3A_330] {strides = array<i32>} : memref<200x128xf32, #tpu.memory_space<vmem>>, vector<1x16xf32>,
      %get3A_332 = vector.shape_cast %get3A_331 : vector<1x16xf32> to vector<16xf32>
      %add3A_333 = arith.addf %add3A_307, %get3A_332 : vector<16xf32>
      %get3A_334 = arith.index_cast %add3A_323 : i32 to index
      %get3A_335 = arith.constant 32 : index
      %get3A_336 = tpu.vector_load %arg8[%get3A_334, %get3A_335] {strides = array<i32>} : memref<200x128xf32, #tpu.memory_space<vmem>>, vector<1x16xf32>,
      %get3A_337 = vector.shape_cast %get3A_336 : vector<1x16xf32> to vector<16xf32>
      %add3A_338 = arith.addf %add3A_312, %get3A_337 : vector<16xf32>
      %get3A_339 = arith.index_cast %add3A_323 : i32 to index
      %get3A_340 = arith.constant 48 : index
      %get3A_341 = tpu.vector_load %arg8[%get3A_339, %get3A_340] {strides = array<i32>} : memref<200x128xf32, #tpu.memory_space<vmem>>, vector<1x16xf32>,
      %get3A_342 = vector.shape_cast %get3A_341 : vector<1x16xf32> to vector<16xf32>
      %add3A_343 = arith.addf %add3A_317, %get3A_342 : vector<16xf32>
      %scan3A_344 = arith.constant 7 : i32
      %scan3A_345 = arith.addi %scan3A_159, %scan3A_344 : i32
      %mul3A_346 = arith.constant 1 : i32
      %mul3A_347 = arith.muli %scan3A_345, %mul3A_346 : i32
      %add3A_348 = arith.constant 0 : i32
      %add3A_349 = arith.addi %add3A_348, %mul3A_347 : i32
      %get3A_350 = arith.index_cast %add3A_349 : i32 to index
      %get3A_351 = arith.constant 0 : index
      %get3A_352 = tpu.vector_load %arg8[%get3A_350, %get3A_351] {strides = array<i32>} : memref<200x128xf32, #tpu.memory_space<vmem>>, vector<1x16xf32>,
      %get3A_353 = vector.shape_cast %get3A_352 : vector<1x16xf32> to vector<16xf32>
      %add3A_354 = arith.addf %add3A_328, %get3A_353 : vector<16xf32>
      %get3A_355 = arith.index_cast %add3A_349 : i32 to index
      %get3A_356 = arith.constant 16 : index
      %get3A_357 = tpu.vector_load %arg8[%get3A_355, %get3A_356] {strides = array<i32>} : memref<200x128xf32, #tpu.memory_space<vmem>>, vector<1x16xf32>,
      %get3A_358 = vector.shape_cast %get3A_357 : vector<1x16xf32> to vector<16xf32>
      %add3A_359 = arith.addf %add3A_333, %get3A_358 : vector<16xf32>
      %get3A_360 = arith.index_cast %add3A_349 : i32 to index
      %get3A_361 = arith.constant 32 : index
      %get3A_362 = tpu.vector_load %arg8[%get3A_360, %get3A_361] {strides = array<i32>} : memref<200x128xf32, #tpu.memory_space<vmem>>, vector<1x16xf32>,
      %get3A_363 = vector.shape_cast %get3A_362 : vector<1x16xf32> to vector<16xf32>
      %add3A_364 = arith.addf %add3A_338, %get3A_363 : vector<16xf32>
      %get3A_365 = arith.index_cast %add3A_349 : i32 to index
      %get3A_366 = arith.constant 48 : index
      %get3A_367 = tpu.vector_load %arg8[%get3A_365, %get3A_366] {strides = array<i32>} : memref<200x128xf32, #tpu.memory_space<vmem>>, vector<1x16xf32>,
      %get3A_368 = vector.shape_cast %get3A_367 : vector<1x16xf32> to vector<16xf32>
      %add3A_369 = arith.addf %add3A_343, %get3A_368 : vector<16xf32>
      scf.yield %add3A_354, %add3A_359, %add3A_364, %add3A_369 : vector<16xf32>, vector<16xf32>, vector<16xf32>, vector<16xf32>
    }
    %scan3A_124 = arith.constant 200 : i32
    %mul3A_125 = vector.broadcast %squeeze3A : f32 to vector<16xf32>
    %mul3A_126 = arith.mulf %scan3A_123#0, %mul3A_125 : vector<16xf32>
    %swap3A_127 = arith.constant 127 : i32
    %swap3A_128 = arith.index_cast %swap3A_127 : i32 to index
    %swap3A_129 = arith.constant 0 : index
    %swap3A_130 = tpu.vector_load %arg10[%swap3A_128, %swap3A_129] {strides = array<i32>} : memref<128x64xf32, #tpu.memory_space<vmem>>, vector<1x16xf32>,
    %swap3A_131 = vector.shape_cast %swap3A_130 : vector<1x16xf32> to vector<16xf32>
    %swap3A_132 = vector.shape_cast %mul3A_126 : vector<16xf32> to vector<1x16xf32>
    tpu.vector_store %arg10[%swap3A_128, %swap3A_129], %swap3A_132 {strides = array<i32>} : memref<128x64xf32, #tpu.memory_space<vmem>>, vector<1x16xf32>,
    %mul3A_133 = vector.broadcast %squeeze3A : f32 to vector<16xf32>
    %mul3A_134 = arith.mulf %scan3A_123#1, %mul3A_133 : vector<16xf32>
    %swap3A_135 = arith.constant 127 : i32
    %swap3A_136 = arith.index_cast %swap3A_135 : i32 to index
    %swap3A_137 = arith.constant 16 : index
    %swap3A_138 = tpu.vector_load %arg10[%swap3A_136, %swap3A_137] {strides = array<i32>} : memref<128x64xf32, #tpu.memory_space<vmem>>, vector<1x16xf32>,
    %swap3A_139 = vector.shape_cast %swap3A_138 : vector<1x16xf32> to vector<16xf32>
    %swap3A_140 = vector.shape_cast %mul3A_134 : vector<16xf32> to vector<1x16xf32>
    tpu.vector_store %arg10[%swap3A_136, %swap3A_137], %swap3A_140 {strides = array<i32>} : memref<128x64xf32, #tpu.memory_space<vmem>>, vector<1x16xf32>,
    %mul3A_141 = vector.broadcast %squeeze3A : f32 to vector<16xf32>
    %mul3A_142 = arith.mulf %scan3A_123#2, %mul3A_141 : vector<16xf32>
    %swap3A_143 = arith.constant 127 : i32
    %swap3A_144 = arith.index_cast %swap3A_143 : i32 to index
    %swap3A_145 = arith.constant 32 : index
    %swap3A_146 = tpu.vector_load %arg10[%swap3A_144, %swap3A_145] {strides = array<i32>} : memref<128x64xf32, #tpu.memory_space<vmem>>, vector<1x16xf32>,
    %swap3A_147 = vector.shape_cast %swap3A_146 : vector<1x16xf32> to vector<16xf32>
    %swap3A_148 = vector.shape_cast %mul3A_142 : vector<16xf32> to vector<1x16xf32>
    tpu.vector_store %arg10[%swap3A_144, %swap3A_145], %swap3A_148 {strides = array<i32>} : memref<128x64xf32, #tpu.memory_space<vmem>>, vector<1x16xf32>,
    %mul3A_149 = vector.broadcast %squeeze3A : f32 to vector<16xf32>
    %mul3A_150 = arith.mulf %scan3A_123#3, %mul3A_149 : vector<16xf32>
    %swap3A_151 = arith.constant 127 : i32
    %swap3A_152 = arith.index_cast %swap3A_151 : i32 to index
    %swap3A_153 = arith.constant 48 : index
    %swap3A_154 = tpu.vector_load %arg10[%swap3A_152, %swap3A_153] {strides = array<i32>} : memref<128x64xf32, #tpu.memory_space<vmem>>, vector<1x16xf32>,
    %swap3A_155 = vector.shape_cast %swap3A_154 : vector<1x16xf32> to vector<16xf32>
    %swap3A_156 = vector.shape_cast %mul3A_150 : vector<16xf32> to vector<1x16xf32>
    tpu.vector_store %arg10[%swap3A_152, %swap3A_153], %swap3A_156 {strides = array<i32>} : memref<128x64xf32, #tpu.memory_space<vmem>>, vector<1x16xf32>,
    %mul3A_157 = arith.constant 128 : i32
    %mul3A_158 = arith.muli %add3A, %mul3A_157 : i32
    "tpu.region"() ({
      %run_scoped3A = tpu.sem_alloc : memref<!tpu.dma_semaphore, #tpu.memory_space<semaphore_mem>>
      %dma_start3A_159 = arith.constant 0 : i32
      %dma_start3A_160 = tpu.memref_slice %arg5[%mul3A_158, %dma_start3A_159] : memref<4096x64xf32, #tpu.memory_space<hbm>> -> memref<128x64xf32, #tpu.memory_space<hbm>>
      %dma_start3A_161 = arith.constant 0 : i32
      %dma_start3A_162 = tpu.memref_slice %arg5[%mul3A_158, %dma_start3A_161] : memref<4096x64xf32, #tpu.memory_space<hbm>> -> memref<128x64xf32, #tpu.memory_space<hbm>>
      tpu.enqueue_dma source(%arg10 : memref<128x64xf32, #tpu.memory_space<vmem>>) target(%dma_start3A_162 : memref<128x64xf32, #tpu.memory_space<hbm>>) target_semaphore(%run_scoped3A : memref<!tpu.dma_semaphore, #tpu.memory_space<semaphore_mem>>)
      %dma_wait3A_163 = arith.constant 0 : i32
      %dma_wait3A_164 = tpu.memref_slice %arg5[%mul3A_158, %dma_wait3A_163] : memref<4096x64xf32, #tpu.memory_space<hbm>> -> memref<128x64xf32, #tpu.memory_space<hbm>>
      %dma_wait3A_165 = arith.constant 0 : i32
      %dma_wait3A_166 = tpu.memref_slice %arg5[%mul3A_158, %dma_wait3A_165] : memref<4096x64xf32, #tpu.memory_space<hbm>> -> memref<128x64xf32, #tpu.memory_space<hbm>>
      tpu.wait_dma2 semaphore(%run_scoped3A : memref<!tpu.dma_semaphore, #tpu.memory_space<semaphore_mem>>) src(%arg10 : memref<128x64xf32, #tpu.memory_space<vmem>>) dst(%dma_wait3A_166 : memref<128x64xf32, #tpu.memory_space<hbm>>)
      tpu.yield
    }) : () -> ()
    return
  }
}

module attributes {stable_mosaic.version = 14 : i64} {
  func.func @_mlp_body(%arg0: memref<4096x64xf32, #tpu.memory_space<vmem>>, %arg1: memref<64x64xf32, #tpu.memory_space<vmem>>, %arg2: memref<1x64xf32, #tpu.memory_space<vmem>>, %arg3: memref<1x64xf32, #tpu.memory_space<vmem>>, %arg4: memref<1x64xf32, #tpu.memory_space<vmem>>, %arg5: memref<64x32xf32, #tpu.memory_space<vmem>>, %arg6: memref<1x32xf32, #tpu.memory_space<vmem>>, %arg7: memref<4096x32xf32, #tpu.memory_space<vmem>>) attributes {dimension_semantics = [], scalar_prefetch = 0 : i64, scratch_operands = 0 : i64, tpu.core_type = #tpu.core_type<tc>} {
    %get3A = arith.constant 0 : index
    %get3A_0 = arith.constant 0 : index
    %get3A_1 = vector.load %arg0[%get3A, %get3A_0] : memref<4096x64xf32, #tpu.memory_space<vmem>>, vector<4096x64xf32>
    %get3A_2 = arith.constant 0 : index
    %get3A_3 = arith.constant 0 : index
    %get3A_4 = vector.load %arg1[%get3A_2, %get3A_3] : memref<64x64xf32, #tpu.memory_space<vmem>>, vector<64x64xf32>
    %dot_general3A = arith.constant dense<0.000000e+00> : vector<4096x64xf32>
    %dot_general3A_5 = tpu.matmul %get3A_1, %get3A_4, %dot_general3A {dimension_numbers = #tpu.dot_dimension_numbers<[1], [0], [0], [1], [0, 0, 1, 1], [], []>, transpose_lhs_hint = false} : vector<4096x64xf32>, vector<64x64xf32>, vector<4096x64xf32> -> vector<4096x64xf32>
    %get3A_6 = arith.constant 0 : index
    %get3A_7 = arith.constant 0 : index
    %get3A_8 = vector.load %arg2[%get3A_6, %get3A_7] : memref<1x64xf32, #tpu.memory_space<vmem>>, vector<1x64xf32>
    %add3A = vector.broadcast %get3A_8 : vector<1x64xf32> to vector<4096x64xf32>
    %add3A_9 = arith.addf %dot_general3A_5, %add3A : vector<4096x64xf32>
    %reduce_sum3A = arith.constant dense<0.000000e+00> : vector<64xf32>
    %reduce_sum3A_10 = vector.multi_reduction <add>, %add3A_9, %reduce_sum3A [0] : vector<4096x64xf32> to vector<64xf32>
    %broadcast_in_dim3A = vector.shape_cast %reduce_sum3A_10 : vector<64xf32> to vector<1x64xf32>
    %div3A = arith.constant 4.096000e+03 : f32
    %div3A_11 = vector.broadcast %div3A : f32 to vector<1x64xf32>
    %div3A_12 = arith.divf %broadcast_in_dim3A, %div3A_11 : vector<1x64xf32>
    %sub3A = vector.broadcast %div3A_12 : vector<1x64xf32> to vector<4096x64xf32>
    %sub3A_13 = arith.subf %add3A_9, %sub3A : vector<4096x64xf32>
    %sub3A_14 = vector.broadcast %div3A_12 : vector<1x64xf32> to vector<4096x64xf32>
    %sub3A_15 = arith.subf %add3A_9, %sub3A_14 : vector<4096x64xf32>
    %mul3A = arith.mulf %sub3A_13, %sub3A_15 : vector<4096x64xf32>
    %reduce_sum3A_16 = arith.constant dense<0.000000e+00> : vector<64xf32>
    %reduce_sum3A_17 = vector.multi_reduction <add>, %mul3A, %reduce_sum3A_16 [0] : vector<4096x64xf32> to vector<64xf32>
    %broadcast_in_dim3A_18 = vector.shape_cast %reduce_sum3A_17 : vector<64xf32> to vector<1x64xf32>
    %div3A_19 = arith.constant 4.096000e+03 : f32
    %div3A_20 = vector.broadcast %div3A_19 : f32 to vector<1x64xf32>
    %div3A_21 = arith.divf %broadcast_in_dim3A_18, %div3A_20 : vector<1x64xf32>
    %sub3A_22 = vector.broadcast %div3A_12 : vector<1x64xf32> to vector<4096x64xf32>
    %sub3A_23 = arith.subf %add3A_9, %sub3A_22 : vector<4096x64xf32>
    %add3A_24 = arith.constant 9.99999974E-6 : f32
    %add3A_25 = vector.broadcast %add3A_24 : f32 to vector<1x64xf32>
    %add3A_26 = arith.addf %div3A_21, %add3A_25 : vector<1x64xf32>
    %rsqrt3A = math.rsqrt %add3A_26 : vector<1x64xf32>
    %mul3A_27 = vector.broadcast %rsqrt3A : vector<1x64xf32> to vector<4096x64xf32>
    %mul3A_28 = arith.mulf %sub3A_23, %mul3A_27 : vector<4096x64xf32>
    %get3A_29 = arith.constant 0 : index
    %get3A_30 = arith.constant 0 : index
    %get3A_31 = vector.load %arg3[%get3A_29, %get3A_30] : memref<1x64xf32, #tpu.memory_space<vmem>>, vector<1x64xf32>
    %mul3A_32 = vector.broadcast %get3A_31 : vector<1x64xf32> to vector<4096x64xf32>
    %mul3A_33 = arith.mulf %mul3A_28, %mul3A_32 : vector<4096x64xf32>
    %get3A_34 = arith.constant 0 : index
    %get3A_35 = arith.constant 0 : index
    %get3A_36 = vector.load %arg4[%get3A_34, %get3A_35] : memref<1x64xf32, #tpu.memory_space<vmem>>, vector<1x64xf32>
    %add3A_37 = vector.broadcast %get3A_36 : vector<1x64xf32> to vector<4096x64xf32>
    %add3A_38 = arith.addf %mul3A_33, %add3A_37 : vector<4096x64xf32>
    %max3A = arith.constant 0.000000e+00 : f32
    %max3A_39 = vector.broadcast %max3A : f32 to vector<4096x64xf32>
    %max3A_40 = arith.maximumf %add3A_38, %max3A_39 : vector<4096x64xf32>
    %get3A_41 = arith.constant 0 : index
    %get3A_42 = arith.constant 0 : index
    %get3A_43 = vector.load %arg5[%get3A_41, %get3A_42] : memref<64x32xf32, #tpu.memory_space<vmem>>, vector<64x32xf32>
    %dot_general3A_44 = arith.constant dense<0.000000e+00> : vector<4096x32xf32>
    %dot_general3A_45 = tpu.matmul %max3A_40, %get3A_43, %dot_general3A_44 {dimension_numbers = #tpu.dot_dimension_numbers<[1], [0], [0], [1], [0, 0, 1, 1], [], []>, transpose_lhs_hint = false} : vector<4096x64xf32>, vector<64x32xf32>, vector<4096x32xf32> -> vector<4096x32xf32>
    %get3A_46 = arith.constant 0 : index
    %get3A_47 = arith.constant 0 : index
    %get3A_48 = vector.load %arg6[%get3A_46, %get3A_47] : memref<1x32xf32, #tpu.memory_space<vmem>>, vector<1x32xf32>
    %add3A_49 = vector.broadcast %get3A_48 : vector<1x32xf32> to vector<4096x32xf32>
    %add3A_50 = arith.addf %dot_general3A_45, %add3A_49 : vector<4096x32xf32>
    %swap3A = arith.constant 0 : index
    %swap3A_51 = arith.constant 0 : index
    %swap3A_52 = vector.load %arg7[%swap3A, %swap3A_51] : memref<4096x32xf32, #tpu.memory_space<vmem>>, vector<4096x32xf32>
    tpu.vector_store %arg7[%swap3A, %swap3A_51], %add3A_50 {strides = array<i32>} : memref<4096x32xf32, #tpu.memory_space<vmem>>, vector<4096x32xf32>,
    return
  }
}

</mosaic_0001>

<sc_bundles>
// kernel: kernel.4.cloned.1.call-start
scs
__scs_entry_jumppad:
0x0: {  	(pc) =	sbr.rel $0x88, $3  }
0x1: {  	(tag) =	ssettag $0x0;
	lr =	simm.s32 $0x1  }
0x2: {  	[smem:$0x3F99] =	sst lr;
	_ =	strace $0xD0000000  }
0x3: {  	_ = 	snop  }
0x4: {  	_ = 	snop  }
0x5: {  	_ = 	snop  }
0x6: {  	_ = 	snop  }
0x7: {  	_ = 	snop  }
__scs_overlays_trampoline_lowered:
0x8: {  	[smem:$0x3FA8] =	sst s0  }
0x9: {  	[smem:$0x3FA9] =	sst s1  }
0xa: {  	[smem:$0x3FAA] =	sst s2  }
0xb: {  	[smem:$0x3FAB] =	sst s3  }
0xc: {  	[smem:$0x3FAC] =	sst s4  }
0xd: {  	[smem:$0x3FAD] =	sst s5  }
0xe: {  	[smem:$0x3FAE] =	sst s6  }
0xf: {  	[smem:$0x3FAF] =	sst s7  }
0x10: {  	[smem:$0x3FB0] =	sst s8  }
0x11: {  	[smem:$0x3FB1] =	sst s9;
	s0 =	simm.s32 @!p0 $0x0  }
0x12: {  	s1 =	sld [smem:$0x3F97];
	s0 =	simm.s32 @p0 $0x1  }
0x13: {  	[smem:$0x3FB2] =	sst s0;
	s0 =	simm.s32 @!p1 $0x0  }
0x14: {  	s2 =	sld [smem:$0x3F96];
	s0 =	simm.s32 @p1 $0x1  }
0x15: {  	[smem:$0x3FB3] =	sst s0;
	s0 =	simm.s32 @!p2 $0x0  }
0x16: {  	s3 =	sld [smem:$0x3FDB];
	s0 =	simm.s32 @p2 $0x1  }
0x17: {  	s4 =	simm.s32 $0x1BF5;
	[smem:$0x3FB5] =	sst s0  }
0x18: {  	s0 =	sld [smem:$0x3F98];
	_ =	swait.ge [sflag:s4], $0x0  }
0x19: {  	s7 =	sld [smem:$0x3F99]  }
0x1a: {  	s8 =	sadd.s32 $0xFFFFE003, lr  }
0x1b: {  	s9 =	sadd.s32 $0xFFFFFEF7, lr;
	s5 =	simm.s32 $0xFFFFFFFF;
	p2 =	slt.u32 s8, $0xFFFFF086  }
0x1c: {  	p1 =	slt.u32 s9, $0xF7A;
	s5 =	simm.s32 @!p2 $0x0  }
0x1d: {  	s5 =	simm.s32 @p1 $0x1;
	p0 =	seq.s32 s7, s2  }
0x1e: {  	s7 =	smul.u32 @!p0 $0xF7A, s2;
	p2 =	seq.s32 @!p0 s5, $0x0  }
0x1f: {  	s9 =	smul.u32 $0xF7A, s1;
	s8 =	simm.s32 @!p0 $0x1BF5;
	p2 =	por !p2, p0  }
0x20: {  	[sflag:s8] =	ssyncset.s32 @!p0 $0xFFFFF086;
	s6 =	sadd.s32 @!p0 s3, s7;
	s7 =	simm.s32 @!p0 $0x108  }
0x21: {  	s3 =	sadd.s32 s3, s9;
	s6 =	sadd.s32 @!p0 $0x88, s6;
	s7 =	simm.s32 @p2 $0x1082  }
0x22: {  	[simem:s7], [sflag:s8] =	dma.local @!p0 [hbm:s6], $0xF7A  }
0x23: {  	s9 =	sor.u32 $0xD0000000, s2;
	s6 =	simm.s32 $0x108;
	_ =	swait.ge @!p0 [sflag:s8], $0x0  }
0x24: {  	s3 =	sadd.s32 $0x88, s3;
	s6 =	simm.s32 @!p1 $0x1082;
	[sflag:s4] =	ssyncset.s32 $0xFFFFF086  }
0x25: {  	[simem:s6], [sflag:s4] =	dma.local [hbm:s3], $0xF7A  }
0x26: {  	[smem:$0x3F99] =	sst s1;
	(tag) =	ssettag s2;
	_ =	strace s9  }
0x27: {  	s1 =	sld [smem:$0x3FA9]  }
0x28: {  	s2 =	sld [smem:$0x3FAA]  }
0x29: {  	s4 =	sld [smem:$0x3FAC]  }
0x2a: {  	p0 =	seq.s32 s5, $0x0;
	s5 =	sld [smem:$0x3FAD]  }
0x2b: {  	s6 =	sld [smem:$0x3FAE]  }
0x2c: {  	s7 =	sld [smem:$0x3FAF]  }
0x2d: {  	s3 =	simm.s32 $0x108;
	s8 =	sld [smem:$0x3FB0]  }
0x2e: {  	s3 =	simm.s32 @!p0 $0x1082;
	s9 =	sld [smem:$0x3FB1]  }
0x2f: {  	lr =	sadd.s32 s0, s3;
	s0 =	sld [smem:$0x3FA8]  }
0x30: {  	s3 =	sld [smem:$0x3FAB]  }
0x31: {  	[smem:$0x3FB4] =	sst s10  }
0x32: {  	s10 =	sld [smem:$0x3FB2];
	_ =	sdelay $0x3  }
0x33: {  	p0 =	seq.s32 s10, $0x1;
	s10 =	sld [smem:$0x3FB4];
	_ =	sdelay $0x3  }
0x34: {  	[smem:$0x3FB4] =	sst s10  }
0x35: {  	s10 =	sld [smem:$0x3FB3];
	_ =	sdelay $0x3  }
0x36: {  	p1 =	seq.s32 s10, $0x1;
	s10 =	sld [smem:$0x3FB4];
	_ =	sdelay $0x3  }
0x37: {  	[smem:$0x3FB4] =	sst s10  }
0x38: {  	s10 =	sld [smem:$0x3FB5]  }
0x39: {  	_ = 	snop;
	(pc) =	sbr.ind lr, $3  }
0x3a: {  	_ = 	snop  }
0x3b: {  	_ = 	snop  }
0x3c: {  	p2 =	seq.s32 s10, $0x1;
	s10 =	sld [smem:$0x3FB4]  }
0x3d: {  	_ =	shalt  }
0x3e: {  	_ =	shalt  }
0x3f: {  	_ =	shalt  }
0x40: {  	_ =	shalt  }
0x41: {  	_ =	shalt  }
0x42: {  	_ =	shalt  }
0x43: {  	_ =	shalt  }
0x44: {  	_ =	shalt  }
0x45: {  	_ =	shalt  }
0x46: {  	_ =	shalt  }
0x47: {  	_ =	shalt  }
0x48: {  	_ =	shalt  }
0x49: {  	_ =	shalt  }
0x4a: {  	_ =	shalt  }
0x4b: {  	_ =	shalt  }
0x4c: {  	_ =	shalt  }
0x4d: {  	_ =	shalt  }
0x4e: {  	_ =	shalt  }
0x4f: {  	_ =	shalt  }
0x50: {  	_ =	shalt  }
0x51: {  	_ =	shalt  }
0x52: {  	_ =	shalt  }
0x53: {  	_ =	shalt  }
0x54: {  	_ =	shalt  }
0x55: {  	_ =	shalt  }
0x56: {  	_ =	shalt  }
0x57: {  	_ =	shalt  }
0x58: {  	_ =	shalt  }
0x59: {  	_ =	shalt  }
0x5a: {  	_ =	shalt  }
0x5b: {  	_ =	shalt  }
0x5c: {  	_ =	shalt  }
0x5d: {  	_ =	shalt  }
0x5e: {  	_ =	shalt  }
0x5f: {  	_ =	shalt  }
0x60: {  	_ =	shalt  }
0x61: {  	_ =	shalt  }
0x62: {  	_ =	shalt  }
0x63: {  	_ =	shalt  }
0x64: {  	_ =	shalt  }
0x65: {  	_ =	shalt  }
0x66: {  	_ =	shalt  }
0x67: {  	_ =	shalt  }
0x68: {  	_ =	shalt  }
0x69: {  	_ =	shalt  }
0x6a: {  	_ =	shalt  }
0x6b: {  	_ =	shalt  }
0x6c: {  	_ =	shalt  }
0x6d: {  	_ =	shalt  }
0x6e: {  	_ =	shalt  }
0x6f: {  	_ =	shalt  }
0x70: {  	_ =	shalt  }
0x71: {  	_ =	shalt  }
0x72: {  	_ =	shalt  }
0x73: {  	_ =	shalt  }
0x74: {  	_ =	shalt  }
0x75: {  	_ =	shalt  }
0x76: {  	_ =	shalt  }
0x77: {  	_ =	shalt  }
0x78: {  	_ =	shalt  }
0x79: {  	_ =	shalt  }
0x7a: {  	_ =	shalt  }
0x7b: {  	_ =	shalt  }
0x7c: {  	_ =	shalt  }
0x7d: {  	_ =	shalt  }
0x7e: {  	_ =	shalt  }
0x7f: {  	_ =	shalt  }
0x80: {  	_ =	shalt  }
0x81: {  	_ =	shalt  }
0x82: {  	_ =	shalt  }
0x83: {  	_ =	shalt  }
0x84: {  	_ =	shalt  }
0x85: {  	_ =	shalt  }
0x86: {  	_ =	shalt  }
0x87: {  	_ =	shalt  }
.Lfunc_end0:
.L_simem_size_0:
called_computation_lowered:
.L_overlay_start_0:
0x88: {  	s2 =	sld [smem:$0x3FD9]  }
0x89: {  	s3 =	sld [smem:$0x3FFE];
	_ =	sdelay $0x1  }
0x8a: {  	s1 =	srdreg.scid  }
0x8b: {  	s0 =	sand.u32 $0x1, s1  }
0x8c: {  	s17 =	sshll.u32 s0, $0xA;
	s2 =	sadd.s32 s3, s2  }
0x8d: {  	s2 =	sadd.s32 s2, s17  }
0x8e: {  	[smem:$0x3FC0] =	sst s2  }
0x8f: {  	_ = 	snop  }
0x90: {  	s2 =	sld [smem:$0x3FD0];
	(tm) =	ssettm $0x1  }
0x91: {  	s18 =	sld [smem:$0x3FFB];
	_ =	sdelay $0x3  }
0x92: {  	_ =	strace s18  }
0x93: {  	s3 =	sld [smem:$0x3FFC];
	_ =	sdelay $0x3  }
0x94: {  	_ =	strace s3  }
0x95: {  	s3 =	sld [smem:$0x3FFD];
	_ =	sdelay $0x3  }
0x96: {  	_ =	strace s3  }
0x97: {  	_ =	strace $0x8FFFFFFF  }
0x98: {  	s19 =	sld [smem:$0x3FDB];
	_ =	sdelay $0x1  }
0x99: {  	s4 =	simm.s32 $_scs_section_size  }
0x9a: {  	s5 =	simm.s32 $_size__tile_overlayer_lowered;
	s6 =	simm.s32 $_tile_overlayer_lowered  }
0x9b: {  	s22 =	simm.s32 $0x1BFF;
	s21 =	sshll.u32 s6, $0x1;
	s3 =	sadd.s32 s4, s19  }
0x9c: {  	s7 =	simm.s32 $0x0;
	s20 =	sshll.u32 s5, $0x1;
	s5 =	sadd.s32 s21, s3  }
0x9d: {  	[timem:s7], [sflag:s22] =	dma.local [hbm:s5], s20  }
0x9e: {  	_ =	swait.ge [sflag:s22], s20  }
0x9f: {  	s4 =	ssub.s32 $0x0, s20;
	[sflag:s22] =	ssyncset.done $0x0  }
0xa0: {  	[sflag:s22] =	ssyncadd.s32 s4;
	_ =	sdelay $0x1  }
0xa1: {  	s23 =	simm.s32 $0x1B8B  }
0xa2: {  	_ =	swait.ge [sflag:s23], $0x1  }
0xa3: {  	[sflag:s23] =	ssyncset.done $0x0  }
0xa4: {  	s25 =	simm.s32 $0x1B8E;
	s24 =	sld [smem:$0x3FFE];
	[sflag:s23] =	ssyncadd.s32 $0xFFFFFFFF  }
0xa5: {  	s26 =	simm.s32 $execute0_lowered;
	[smem:$0x3FD2] =	sst s25  }
0xa6: {  	s5 =	sshll.u32 s26, $0x1;
	_ =	strace $0x80000046;
	[dreg:$0x1] =	wrdreg $0xFFFFFFFF  }
0xa7: {  	s28 =	simm.s32 $_size_execute0_lowered;
	s3 =	sadd.s32 s3, s5;
	[dreg:$0x0] =	wrdreg $0x0  }
0xa8: {  	s5 =	sshll.u32 s28, $0x1;
	[dreg:$0x2] =	wrdreg s3  }
0xa9: {  	[dreg:$0x3] =	wrdreg s5  }
0xaa: {  	[dreg:$0x4] =	wrdreg $0xC0  }
0xab: {  	_ =	task [dreg:s7], $0x5FFFF  }
0xac: {  	[dreg:$0x1] =	wrdreg $0xFFFFFFFF  }
0xad: {  	[dreg:$0x0] =	wrdreg $0x60  }
0xae: {  	[dreg:$0x2] =	wrdreg s24  }
0xaf: {  	[dreg:$0x3] =	wrdreg s2  }
0xb0: {  	[dreg:$0x4] =	wrdreg $0x9  }
0xb1: {  	_ =	task.clear_ibuf [dreg:s7], $0x5FFFF;
	_ =	strace $0x90000046  }
0xb2: {  	s29 =	simm.s32 $0x9;
	_ =	strace $0x80000048  }
0xb3: {  	_ =	swait.ge [sflag:s29], $0x1  }
0xb4: {  	[sflag:s29] =	ssyncadd.s32 $0xFFFFFFFF  }
0xb5: {  	_ =	strace $0x90000048  }
0xb6: {  	_ =	sfence  }
0xb7: {  	s30 =	sld [smem:$0x0];
	_ =	sdelay $0x2  }
0xb8: {  	s31 =	sshll.u32 s1, $0xD;
	s1 =	sshrl.u32 s1, $0x2  }
0xb9: {  	s3 =	sand.u32 $0x4000, s31;
	s1 =	sadd.s32 s1, s30  }
0xba: {  	s0 =	sor.u32 s3, s0;
	s1 =	sshll.u32 s1, $0x11  }
0xbb: {  	s0 =	sor.u32 s1, s0  }
0xbc: {  	s0 =	sadd.s32 $0x8F2B, s0  }
0xbd: {  	[sflag:s0] =	ssyncadd.remote.s32 $0x1  }
0xbe: {  	_ =	sfence.sel $0xFFFF  }
0xbf: {  	[dreg:$0x0] =	wrdreg $0xFFFFFFFF;
	(pc) =	sbr.abs _section_cstart, $3  }
0xc0: {  	[dreg:$0x1] =	wrdreg $0xFFFFFFFF  }
0xc1: {  	_ =	task.clear_ibuf [dreg:s7], $0x2FFFF;
	_ =	strace $0x9FFFFFFF  }
0xc2: {  	(tm) =	ssettm $0x7FFFFFFF  }
0xc3: {  	_ =	shalt  }
tec
execute0_lowered:
.L_overlay_start_1:
0x0: {  	(tag) =	ssettag $0x1  }
0x1: {  	s1 =	srdreg.scid;
	s5 =	rddreg [dreg:$0x0]  }
0x2: {  	s0 =	stileid.u32;
	s2 =	rddreg [dreg:$0x1];
	s3 =	simm.s32 $0x0  }
0x3: {  	s9 =	simm.s32 $0x4;
	s10 =	simm.s32 $0x80;
	s11 =	simm.s32 $0x8000  }
0x4: {  	s12 =	simm.s32 $0x48;
	s13 =	simm.s32 $0x400;
	s14 =	simm.s32 $0xC000  }
0x5: {  	s15 =	simm.s32 $0xE400;
	s16 =	simm.s32 $0x480;
	s17 =	simm.s32 $0x12400  }
0x6: {  	s18 =	simm.s32 $0x100;
	s19 =	simm.s32 $0x14800;
	s20 =	simm.s32 $0x500  }
0x7: {  	s21 =	simm.s32 $0x18800;
	s22 =	simm.s32 $0x1;
	s23 =	simm.s32 $0x2  }
0x8: {  	s24 =	simm.s32 $0x3;
	s25 =	simm.s32 $0x1AC00;
	s1 =	sand.u32 $0x1, s1  }
0x9: {  	s26 =	simm.s32 $0x0;
	s4 =	sshll.u32 s0, $0x8;
	s6 =	sshll.u32 s1, $0x7  }
0xa: {  	[smem:$0x7FF] =	sst s3;
	s1 =	ssub.s32 $0x2, s1;
	s6 =	sor.u32 s6, s4  }
0xb: {  	_ =	strace $0x80000047;
	s8 =	sshrl.u32 s1, $0x1;
	s4 =	sshll.u32 s6, $0x5  }
0xc: {  	s6 =	sshll.u32 s6, $0x4;
	s1 =	ssub.s32 s1, s8;
	s8 =	simm.s32 $0x1EC00  }
0xd: {  	s7 =	sadd.s32 s4, s5;
	s4 =	sadd.s32 $0x21400, s5;
	s6 =	sadd.s32 s6, s5  }
0xe: {  	s5 =	sadd.s32 $0x1400, s7;
	s6 =	sadd.s32 $0xF63800, s6;
	s7 =	smax.u32 s1, $0x1  }
.LBB2_1:
0xf: {  	[tilespmem:s8], [sflag:$0x4] =	stream.linear.gather [hbm4b:s2+s3], $0x1, $0x38;
	[tilespmem:$0x1EC80] =	vst v63  }
0x10: {  	_ =	swait.ge [sflag:s9], $0x1  }
0x11: {  	[sflag:s9] =	ssyncset.done $0x0  }
0x12: {  	[sflag:s9] =	ssyncadd.s32 $0xFFFFFFFF  }
0x13: {  	v0 =	vld.msk [tilespmem:$0x1EC00 ss:$0x0], $0xffff;
	[tilespmem:s3], [sflag:$0x4] =	stream.linear.gather [hbm4b:s5+s3], $0x8000, $0x38  }
0x14: {  	_ =	swait.ge [sflag:s9], $0x8000  }
0x15: {  	[sflag:s9] =	ssyncset.done $0x0  }
0x16: {  	[sflag:s9] =	ssyncadd.s32 $0xFFFF8000  }
0x17: {  	[tilespmem:s11], [sflag:$0x1] =	stream.indirect.gather [hbm4b:s4+s10], $0x80, s3, s10, $0xb8;
	[tilespmem:$0x1EC80] =	vst v63  }
0x18: {  	_ = 	snop  }
0x19: {  	[tilespmem:s14], [sflag:$0x1] =	stream.indirect.gather [hbm4b:s4+s12], $0x80, s13, s12, $0xb8;
	[tilespmem:$0x1EC80] =	vst v63  }
0x1a: {  	_ = 	snop  }
0x1b: {  	[tilespmem:s15], [sflag:$0x2] =	stream.indirect.gather [hbm4b:s4+s10], $0x80, s10, s10, $0xb8;
	[tilespmem:$0x1EC80] =	vst v63  }
0x1c: {  	_ = 	snop  }
0x1d: {  	[tilespmem:s17], [sflag:$0x2] =	stream.indirect.gather [hbm4b:s4+s12], $0x80, s16, s12, $0xb8;
	[tilespmem:$0x1EC80] =	vst v63  }
0x1e: {  	_ = 	snop  }
0x1f: {  	[tilespmem:s19], [sflag:$0x3] =	stream.indirect.gather [hbm4b:s4+s10], $0x80, s18, s10, $0xb8;
	[tilespmem:$0x1EC80] =	vst v63  }
0x20: {  	s28 =	simm.s32 $0x0  }
0x21: {  	[tilespmem:s21], [sflag:$0x3] =	stream.indirect.gather [hbm4b:s4+s12], $0x80, s20, s12, $0xb8;
	[tilespmem:$0x1EC80] =	vst v63  }
.LBB2_2:
0x22: {  	_ =	swait.ge [sflag:s22], $0x6400  }
0x23: {  	[sflag:s22] =	ssyncset.done $0x0  }
0x24: {  	s1 =	simm.s32 $0x8200;
	[sflag:s22] =	ssyncadd.s32 $0xFFFF9C00  }
0x25: {  	v1 =	vld [tilespmem:s1+$0x180]  }
0x26: {  	v2 =	vld [tilespmem:s1+$0x190]  }
0x27: {  	v3 =	vld [tilespmem:s1+$0x100]  }
0x28: {  	v4 =	vld [tilespmem:s1+$0x110]  }
0x29: {  	v10 =	vld [tilespmem:s1+$0x80]  }
0x2a: {  	v13 =	vld [tilespmem:s1+$0x90]  }
0x2b: {  	v7 =	vld [tilespmem:s1+$0x0]  }
0x2c: {  	v9 =	vld [tilespmem:s1+$0x10]  }
0x2d: {  	v6 =	vld [tilespmem:s1+$0xFFFFFF80]  }
0x2e: {  	v8 =	vld [tilespmem:s1+$0xFFFFFF90]  }
0x2f: {  	v5 =	vld [tilespmem:s1+$0xFFFFFF00]  }
0x30: {  	v11 =	vld [tilespmem:s1+$0xFFFFFF10]  }
0x31: {  	v12 =	vld [tilespmem:s1+$0xFFFFFE80]  }
0x32: {  	v14 =	vld [tilespmem:s1+$0xFFFFFE90]  }
0x33: {  	v15 =	vld [tilespmem:s1+$0xFFFFFE00]  }
0x34: {  	v16 =	vld [tilespmem:s1+$0xFFFFFE10]  }
0x35: {  	v17 =	vld [tilespmem:s1+$0xFFFFFE20]  }
0x36: {  	v18 =	vld [tilespmem:s1+$0xFFFFFE30]  }
0x37: {  	v19 =	vld [tilespmem:s1+$0xFFFFFEA0]  }
0x38: {  	v20 =	vld [tilespmem:s1+$0xFFFFFEB0]  }
0x39: {  	v21 =	vimm.f32 $0.0e+00;
	v22 =	vld [tilespmem:s1+$0xFFFFFF20]  }
0x3a: {  	v23 =	vld [tilespmem:s1+$0xFFFFFF30];
	v15 =	vadd.f32 v15, v21;
	v16 =	vadd.f32 v16, v21  }
0x3b: {  	v58 =	vld [tilespmem:s1+$0xFFFFFFA0];
	v17 =	vadd.f32 v17, v21;
	v18 =	vadd.f32 v18, v21  }
0x3c: {  	v12 =	vadd.f32 v12, v15;
	v14 =	vadd.f32 v14, v16;
	v15 =	vld [tilespmem:s1+$0xFFFFFFB0]  }
0x3d: {  	v61 =	vld [tilespmem:s1+$0x20];
	v59 =	vadd.f32 v19, v17;
	v60 =	vadd.f32 v20, v18  }
0x3e: {  	v12 =	vadd.f32 v5, v12;
	v11 =	vadd.f32 v11, v14;
	v14 =	vld [tilespmem:s1+$0x30]  }
0x3f: {  	v16 =	vadd.f32 v22, v59;
	v17 =	vadd.f32 v23, v60;
	v5 =	vld [tilespmem:s1+$0xA0]  }
0x40: {  	v12 =	vadd.f32 v6, v12;
	v11 =	vadd.f32 v8, v11;
	v8 =	vld [tilespmem:s1+$0xB0]  }
0x41: {  	v16 =	vadd.f32 v58, v16;
	v6 =	vld [tilespmem:s1+$0x120];
	v15 =	vadd.f32 v15, v17  }
0x42: {  	v62 =	vadd.f32 v7, v12;
	v63 =	vadd.f32 v9, v11;
	v9 =	vld [tilespmem:s1+$0x130]  }
0x43: {  	v12 =	vadd.f32 v61, v16;
	v7 =	vld [tilespmem:s1+$0x1A0];
	v11 =	vadd.f32 v14, v15  }
0x44: {  	s29 =	simm.s32 $0x0;
	s30 =	simm.s32 $0x8600;
	v14 =	vadd.f32 v10, v62;
	v13 =	vadd.f32 v13, v63;
	v10 =	vld [tilespmem:s1+$0x1B0]  }
.LBB2_3:
0x45: {  	v15 =	vld [tilespmem:s30+$0x180];
	v5 =	vadd.f32 v5, v12;
	v8 =	vadd.f32 v8, v11  }
0x46: {  	v11 =	vld [tilespmem:s30+$0x190];
	v12 =	vadd.f32 v3, v14;
	v13 =	vadd.f32 v4, v13  }
0x47: {  	v3 =	vld [tilespmem:s30+$0x100];
	v5 =	vadd.f32 v6, v5;
	v6 =	vadd.f32 v9, v8  }
0x48: {  	v4 =	vld [tilespmem:s30+$0x110];
	v8 =	vadd.f32 v1, v12;
	v9 =	vadd.f32 v2, v13  }
0x49: {  	v13 =	vld [tilespmem:s30+$0x80];
	v5 =	vadd.f32 v7, v5;
	v6 =	vadd.f32 v10, v6  }
0x4a: {  	v10 =	vld [tilespmem:s30+$0x90];
	v1 =	vmov v15  }
0x4b: {  	v7 =	vld [tilespmem:s30+$0x0];
	v2 =	vmov v11  }
0x4c: {  	v11 =	vld [tilespmem:s30+$0x10]  }
0x4d: {  	v12 =	vld [tilespmem:s30+$0xFFFFFF80]  }
0x4e: {  	v14 =	vld [tilespmem:s30+$0xFFFFFF90]  }
0x4f: {  	v15 =	vld [tilespmem:s30+$0xFFFFFF00]  }
0x50: {  	v16 =	vld [tilespmem:s30+$0xFFFFFF10]  }
0x51: {  	v17 =	vld [tilespmem:s30+$0xFFFFFE80]  }
0x52: {  	v18 =	vld [tilespmem:s30+$0xFFFFFE90]  }
0x53: {  	v19 =	vld [tilespmem:s30+$0xFFFFFE00]  }
0x54: {  	v20 =	vld [tilespmem:s30+$0xFFFFFE10]  }
0x55: {  	v21 =	vld [tilespmem:s30+$0xFFFFFE20]  }
0x56: {  	s29 =	sadd.s32 $0x8, s29;
	v22 =	vld [tilespmem:s30+$0xFFFFFE30]  }
0x57: {  	p0 =	slt.u32 s29, $0xC0;
	v23 =	vld [tilespmem:s30+$0xFFFFFEA0]  }
0x58: {  	v24 =	vld [tilespmem:s30+$0xFFFFFEB0]  }
0x59: {  	v25 =	vld [tilespmem:s30+$0xFFFFFF20]  }
0x5a: {  	v8 =	vadd.f32 v19, v8;
	v9 =	vadd.f32 v20, v9;
	v19 =	vld [tilespmem:s30+$0xFFFFFF30]  }
0x5b: {  	v5 =	vadd.f32 v21, v5;
	v6 =	vadd.f32 v22, v6;
	v20 =	vld [tilespmem:s30+$0xFFFFFFA0]  }
0x5c: {  	v8 =	vadd.f32 v17, v8;
	v9 =	vadd.f32 v18, v9;
	v17 =	vld [tilespmem:s30+$0xFFFFFFB0]  }
0x5d: {  	v5 =	vadd.f32 v23, v5;
	v6 =	vadd.f32 v24, v6;
	v18 =	vld [tilespmem:s30+$0x20]  }
0x5e: {  	v8 =	vadd.f32 v15, v8;
	v9 =	vadd.f32 v16, v9;
	v15 =	vld [tilespmem:s30+$0x30]  }
0x5f: {  	v16 =	vadd.f32 v25, v5;
	v6 =	vadd.f32 v19, v6;
	v5 =	vld [tilespmem:s30+$0xA0]  }
.Ltmp0:
0x60: {  	v12 =	vadd.f32 v12, v8;
	v9 =	vadd.f32 v14, v9;
	v8 =	vld [tilespmem:s30+$0xB0];
	(pc) =	sbr.rel @p0 .LBB2_3-.Ltmp0, $4  }
0x61: {  	v14 =	vadd.f32 v20, v16;
	v16 =	vadd.f32 v17, v6;
	v6 =	vld [tilespmem:s30+$0x120]  }
0x62: {  	v17 =	vadd.f32 v7, v12;
	v19 =	vadd.f32 v11, v9;
	v9 =	vld [tilespmem:s30+$0x130]  }
0x63: {  	v12 =	vadd.f32 v18, v14;
	v11 =	vadd.f32 v15, v16;
	v7 =	vld [tilespmem:s30+$0x1A0]  }
0x64: {  	v14 =	vadd.f32 v13, v17;
	v13 =	vadd.f32 v10, v19;
	v10 =	vld [tilespmem:s30+$0x1B0];
	s30 =	sadd.s32 $0x400, s30  }
0x65: {  	_ = 	snop  }
0x66: {  	v5 =	vadd.f32 v5, v12;
	v3 =	vadd.f32 v3, v14  }
0x67: {  	v8 =	vadd.f32 v8, v11;
	v4 =	vadd.f32 v4, v13  }
0x68: {  	v5 =	vadd.f32 v6, v5;
	v1 =	vadd.f32 v1, v3  }
0x69: {  	s1 =	smul.u32 $0x600, s28;
	v3 =	vadd.f32 v9, v8;
	v2 =	vadd.f32 v2, v4  }
0x6a: {  	s29 =	smul.u32 $0x3, s28;
	v4 =	vadd.f32 v7, v5;
	v1 =	vmul.f32 v1, v0  }
0x6b: {  	s30 =	sshra.s32 s1, $0x2;
	v3 =	vadd.f32 v10, v3;
	v2 =	vmul.f32 v2, v0  }
0x6c: {  	s1 =	sadd.s32 $0x3, s29;
	[tilespmem:s30+$0x1AC00] =	vst v1;
	v1 =	vmul.f32 v4, v0  }
0x6d: {  	s31 =	sshll.u32 s1, $0x8;
	s1 =	sshll.u32 s1, $0x7;
	[tilespmem:s30+$0x1AC10] =	vst v2;
	v2 =	vmul.f32 v3, v0  }
0x6e: {  	s31 =	sand.u32 $0x1F800, s31;
	s1 =	sand.u32 $0x380, s1;
	[tilespmem:s30+$0x1AC20] =	vst v1  }
0x6f: {  	s1 =	sor.u32 s1, s31;
	[tilespmem:s30+$0x1AC30] =	vst v2  }
0x70: {  	[tilespmem:s11], [sflag:$0x1] =	stream.indirect.gather [hbm4b:s4+s10], $0x80, s1, s10, $0xb8;
	[tilespmem:$0x1EC80] =	vst v63  }
0x71: {  	s1 =	sor.u32 $0x400, s1  }
0x72: {  	[tilespmem:s14], [sflag:$0x1] =	stream.indirect.gather [hbm4b:s4+s12], $0x80, s1, s12, $0xb8;
	[tilespmem:$0x1EC80] =	vst v63  }
0x73: {  	_ =	swait.ge [sflag:s23], $0x6400  }
0x74: {  	[sflag:s23] =	ssyncset.done $0x0  }
0x75: {  	s1 =	simm.s32 $0xE600;
	[sflag:s23] =	ssyncadd.s32 $0xFFFF9C00  }
0x76: {  	v1 =	vld [tilespmem:s1+$0x180]  }
0x77: {  	v2 =	vld [tilespmem:s1+$0x190]  }
0x78: {  	v3 =	vld [tilespmem:s1+$0x100]  }
0x79: {  	v4 =	vld [tilespmem:s1+$0x110]  }
0x7a: {  	v10 =	vld [tilespmem:s1+$0x80]  }
0x7b: {  	v13 =	vld [tilespmem:s1+$0x90]  }
0x7c: {  	v8 =	vld [tilespmem:s1+$0x0]  }
0x7d: {  	v9 =	vld [tilespmem:s1+$0x10]  }
0x7e: {  	v6 =	vld [tilespmem:s1+$0xFFFFFF80]  }
0x7f: {  	v7 =	vld [tilespmem:s1+$0xFFFFFF90]  }
0x80: {  	v5 =	vld [tilespmem:s1+$0xFFFFFF00]  }
0x81: {  	v11 =	vld [tilespmem:s1+$0xFFFFFF10]  }
0x82: {  	v12 =	vld [tilespmem:s1+$0xFFFFFE80]  }
0x83: {  	v14 =	vld [tilespmem:s1+$0xFFFFFE90]  }
0x84: {  	v15 =	vld [tilespmem:s1+$0xFFFFFE00]  }
0x85: {  	v16 =	vld [tilespmem:s1+$0xFFFFFE10]  }
0x86: {  	v17 =	vld [tilespmem:s1+$0xFFFFFE20]  }
0x87: {  	v18 =	vld [tilespmem:s1+$0xFFFFFE30]  }
0x88: {  	v19 =	vld [tilespmem:s1+$0xFFFFFEA0]  }
0x89: {  	v20 =	vld [tilespmem:s1+$0xFFFFFEB0]  }
0x8a: {  	v21 =	vimm.f32 $0.0e+00;
	v22 =	vld [tilespmem:s1+$0xFFFFFF20]  }
0x8b: {  	v23 =	vld [tilespmem:s1+$0xFFFFFF30];
	v15 =	vadd.f32 v15, v21;
	v16 =	vadd.f32 v16, v21  }
0x8c: {  	v58 =	vld [tilespmem:s1+$0xFFFFFFA0];
	v17 =	vadd.f32 v17, v21;
	v18 =	vadd.f32 v18, v21  }
0x8d: {  	v12 =	vadd.f32 v12, v15;
	v14 =	vadd.f32 v14, v16;
	v15 =	vld [tilespmem:s1+$0xFFFFFFB0]  }
0x8e: {  	v61 =	vld [tilespmem:s1+$0x20];
	v59 =	vadd.f32 v19, v17;
	v60 =	vadd.f32 v20, v18  }
0x8f: {  	v12 =	vadd.f32 v5, v12;
	v11 =	vadd.f32 v11, v14;
	v14 =	vld [tilespmem:s1+$0x30]  }
0x90: {  	v16 =	vadd.f32 v22, v59;
	v17 =	vadd.f32 v23, v60;
	v5 =	vld [tilespmem:s1+$0xA0]  }
0x91: {  	v12 =	vadd.f32 v6, v12;
	v11 =	vadd.f32 v7, v11;
	v7 =	vld [tilespmem:s1+$0xB0]  }
0x92: {  	v16 =	vadd.f32 v58, v16;
	v6 =	vld [tilespmem:s1+$0x120];
	v15 =	vadd.f32 v15, v17  }
0x93: {  	v62 =	vadd.f32 v8, v12;
	v63 =	vadd.f32 v9, v11;
	v9 =	vld [tilespmem:s1+$0x130]  }
0x94: {  	v12 =	vadd.f32 v61, v16;
	v8 =	vld [tilespmem:s1+$0x1A0];
	v11 =	vadd.f32 v14, v15  }
0x95: {  	s31 =	simm.s32 $0x0;
	v14 =	vadd.f32 v10, v62;
	v13 =	vadd.f32 v13, v63;
	v10 =	vld [tilespmem:s1+$0x1B0];
	s1 =	simm.s32 $0xEA00  }
.LBB2_5:
0x96: {  	v15 =	vld [tilespmem:s1+$0x180];
	v5 =	vadd.f32 v5, v12;
	v7 =	vadd.f32 v7, v11  }
0x97: {  	v11 =	vld [tilespmem:s1+$0x190];
	v12 =	vadd.f32 v3, v14;
	v13 =	vadd.f32 v4, v13  }
0x98: {  	v3 =	vld [tilespmem:s1+$0x100];
	v5 =	vadd.f32 v6, v5;
	v6 =	vadd.f32 v9, v7  }
0x99: {  	v4 =	vld [tilespmem:s1+$0x110];
	v7 =	vadd.f32 v1, v12;
	v9 =	vadd.f32 v2, v13  }
0x9a: {  	v13 =	vld [tilespmem:s1+$0x80];
	v5 =	vadd.f32 v8, v5;
	v6 =	vadd.f32 v10, v6  }
0x9b: {  	v10 =	vld [tilespmem:s1+$0x90];
	v1 =	vmov v15  }
0x9c: {  	v8 =	vld [tilespmem:s1+$0x0];
	v2 =	vmov v11  }
0x9d: {  	v11 =	vld [tilespmem:s1+$0x10]  }
0x9e: {  	v12 =	vld [tilespmem:s1+$0xFFFFFF80]  }
0x9f: {  	v14 =	vld [tilespmem:s1+$0xFFFFFF90]  }
0xa0: {  	v15 =	vld [tilespmem:s1+$0xFFFFFF00]  }
0xa1: {  	v16 =	vld [tilespmem:s1+$0xFFFFFF10]  }
0xa2: {  	v17 =	vld [tilespmem:s1+$0xFFFFFE80]  }
0xa3: {  	v18 =	vld [tilespmem:s1+$0xFFFFFE90]  }
0xa4: {  	v19 =	vld [tilespmem:s1+$0xFFFFFE00]  }
0xa5: {  	v20 =	vld [tilespmem:s1+$0xFFFFFE10]  }
0xa6: {  	v21 =	vld [tilespmem:s1+$0xFFFFFE20]  }
0xa7: {  	s31 =	sadd.s32 $0x8, s31;
	v22 =	vld [tilespmem:s1+$0xFFFFFE30]  }
0xa8: {  	p0 =	slt.u32 s31, $0xC0;
	v23 =	vld [tilespmem:s1+$0xFFFFFEA0]  }
0xa9: {  	v24 =	vld [tilespmem:s1+$0xFFFFFEB0]  }
0xaa: {  	v25 =	vld [tilespmem:s1+$0xFFFFFF20]  }
0xab: {  	v7 =	vadd.f32 v19, v7;
	v9 =	vadd.f32 v20, v9;
	v19 =	vld [tilespmem:s1+$0xFFFFFF30]  }
0xac: {  	v5 =	vadd.f32 v21, v5;
	v6 =	vadd.f32 v22, v6;
	v20 =	vld [tilespmem:s1+$0xFFFFFFA0]  }
0xad: {  	v7 =	vadd.f32 v17, v7;
	v9 =	vadd.f32 v18, v9;
	v17 =	vld [tilespmem:s1+$0xFFFFFFB0]  }
0xae: {  	v5 =	vadd.f32 v23, v5;
	v6 =	vadd.f32 v24, v6;
	v18 =	vld [tilespmem:s1+$0x20]  }
0xaf: {  	v7 =	vadd.f32 v15, v7;
	v9 =	vadd.f32 v16, v9;
	v15 =	vld [tilespmem:s1+$0x30]  }
0xb0: {  	v16 =	vadd.f32 v25, v5;
	v6 =	vadd.f32 v19, v6;
	v5 =	vld [tilespmem:s1+$0xA0]  }
.Ltmp1:
0xb1: {  	v12 =	vadd.f32 v12, v7;
	v9 =	vadd.f32 v14, v9;
	v7 =	vld [tilespmem:s1+$0xB0];
	(pc) =	sbr.rel @p0 .LBB2_5-.Ltmp1, $4  }
0xb2: {  	v14 =	vadd.f32 v20, v16;
	v16 =	vadd.f32 v17, v6;
	v6 =	vld [tilespmem:s1+$0x120]  }
0xb3: {  	v17 =	vadd.f32 v8, v12;
	v19 =	vadd.f32 v11, v9;
	v9 =	vld [tilespmem:s1+$0x130]  }
0xb4: {  	v12 =	vadd.f32 v18, v14;
	v11 =	vadd.f32 v15, v16;
	v8 =	vld [tilespmem:s1+$0x1A0]  }
0xb5: {  	v14 =	vadd.f32 v13, v17;
	v13 =	vadd.f32 v10, v19;
	v10 =	vld [tilespmem:s1+$0x1B0];
	s1 =	sadd.s32 $0x400, s1  }
0xb6: {  	_ = 	snop  }
0xb7: {  	v5 =	vadd.f32 v5, v12;
	v3 =	vadd.f32 v3, v14  }
0xb8: {  	v7 =	vadd.f32 v7, v11;
	v4 =	vadd.f32 v4, v13  }
0xb9: {  	v5 =	vadd.f32 v6, v5;
	v1 =	vadd.f32 v1, v3  }
0xba: {  	v3 =	vadd.f32 v9, v7;
	v2 =	vadd.f32 v2, v4  }
0xbb: {  	v4 =	vadd.f32 v8, v5;
	v1 =	vmul.f32 v1, v0  }
0xbc: {  	v3 =	vadd.f32 v10, v3;
	v2 =	vmul.f32 v2, v0  }
0xbd: {  	s1 =	sadd.s32 $0x4, s29;
	[tilespmem:s30+$0x1AC80] =	vst v1;
	v1 =	vmul.f32 v4, v0  }
0xbe: {  	s31 =	sshll.u32 s1, $0x8;
	s1 =	sshll.u32 s1, $0x7;
	[tilespmem:s30+$0x1AC90] =	vst v2;
	v2 =	vmul.f32 v3, v0  }
0xbf: {  	s31 =	sand.u32 $0x1F800, s31;
	s1 =	sand.u32 $0x380, s1;
	[tilespmem:s30+$0x1ACA0] =	vst v1  }
0xc0: {  	s1 =	sor.u32 s1, s31;
	[tilespmem:s30+$0x1ACB0] =	vst v2  }
0xc1: {  	[tilespmem:s15], [sflag:$0x2] =	stream.indirect.gather [hbm4b:s4+s10], $0x80, s1, s10, $0xb8;
	[tilespmem:$0x1EC80] =	vst v63  }
0xc2: {  	s1 =	sor.u32 $0x400, s1  }
0xc3: {  	[tilespmem:s17], [sflag:$0x2] =	stream.indirect.gather [hbm4b:s4+s12], $0x80, s1, s12, $0xb8;
	[tilespmem:$0x1EC80] =	vst v63  }
0xc4: {  	_ =	swait.ge [sflag:s24], $0x6400  }
0xc5: {  	[sflag:s24] =	ssyncset.done $0x0  }
0xc6: {  	s1 =	simm.s32 $0x14A00;
	[sflag:s24] =	ssyncadd.s32 $0xFFFF9C00  }
0xc7: {  	v1 =	vld [tilespmem:s1+$0x180]  }
0xc8: {  	v2 =	vld [tilespmem:s1+$0x190]  }
0xc9: {  	v3 =	vld [tilespmem:s1+$0x100]  }
0xca: {  	v4 =	vld [tilespmem:s1+$0x110]  }
0xcb: {  	v10 =	vld [tilespmem:s1+$0x80]  }
0xcc: {  	v13 =	vld [tilespmem:s1+$0x90]  }
0xcd: {  	v8 =	vld [tilespmem:s1+$0x0]  }
0xce: {  	v9 =	vld [tilespmem:s1+$0x10]  }
0xcf: {  	v6 =	vld [tilespmem:s1+$0xFFFFFF80]  }
0xd0: {  	v7 =	vld [tilespmem:s1+$0xFFFFFF90]  }
0xd1: {  	v5 =	vld [tilespmem:s1+$0xFFFFFF00]  }
0xd2: {  	v11 =	vld [tilespmem:s1+$0xFFFFFF10]  }
0xd3: {  	v12 =	vld [tilespmem:s1+$0xFFFFFE80]  }
0xd4: {  	v14 =	vld [tilespmem:s1+$0xFFFFFE90]  }
0xd5: {  	v15 =	vld [tilespmem:s1+$0xFFFFFE00]  }
0xd6: {  	v16 =	vld [tilespmem:s1+$0xFFFFFE10]  }
0xd7: {  	v17 =	vld [tilespmem:s1+$0xFFFFFE20]  }
0xd8: {  	v18 =	vld [tilespmem:s1+$0xFFFFFE30]  }
0xd9: {  	v19 =	vld [tilespmem:s1+$0xFFFFFEA0]  }
0xda: {  	v20 =	vld [tilespmem:s1+$0xFFFFFEB0]  }
0xdb: {  	v21 =	vimm.f32 $0.0e+00;
	v22 =	vld [tilespmem:s1+$0xFFFFFF20]  }
0xdc: {  	v23 =	vld [tilespmem:s1+$0xFFFFFF30];
	v15 =	vadd.f32 v15, v21;
	v16 =	vadd.f32 v16, v21  }
0xdd: {  	v58 =	vld [tilespmem:s1+$0xFFFFFFA0];
	v17 =	vadd.f32 v17, v21;
	v18 =	vadd.f32 v18, v21  }
0xde: {  	v12 =	vadd.f32 v12, v15;
	v14 =	vadd.f32 v14, v16;
	v15 =	vld [tilespmem:s1+$0xFFFFFFB0]  }
0xdf: {  	v61 =	vld [tilespmem:s1+$0x20];
	v59 =	vadd.f32 v19, v17;
	v60 =	vadd.f32 v20, v18  }
0xe0: {  	v12 =	vadd.f32 v5, v12;
	v11 =	vadd.f32 v11, v14;
	v14 =	vld [tilespmem:s1+$0x30]  }
0xe1: {  	v16 =	vadd.f32 v22, v59;
	v17 =	vadd.f32 v23, v60;
	v5 =	vld [tilespmem:s1+$0xA0]  }
0xe2: {  	v12 =	vadd.f32 v6, v12;
	v11 =	vadd.f32 v7, v11;
	v7 =	vld [tilespmem:s1+$0xB0]  }
0xe3: {  	v16 =	vadd.f32 v58, v16;
	v6 =	vld [tilespmem:s1+$0x120];
	v15 =	vadd.f32 v15, v17  }
0xe4: {  	v62 =	vadd.f32 v8, v12;
	v63 =	vadd.f32 v9, v11;
	v9 =	vld [tilespmem:s1+$0x130]  }
0xe5: {  	v12 =	vadd.f32 v61, v16;
	v8 =	vld [tilespmem:s1+$0x1A0];
	v11 =	vadd.f32 v14, v15  }
0xe6: {  	s31 =	simm.s32 $0x0;
	v14 =	vadd.f32 v10, v62;
	v13 =	vadd.f32 v13, v63;
	v10 =	vld [tilespmem:s1+$0x1B0];
	s1 =	simm.s32 $0x14E00  }
.LBB2_7:
0xe7: {  	v15 =	vld [tilespmem:s1+$0x180];
	v5 =	vadd.f32 v5, v12;
	v7 =	vadd.f32 v7, v11  }
0xe8: {  	v11 =	vld [tilespmem:s1+$0x190];
	v12 =	vadd.f32 v3, v14;
	v13 =	vadd.f32 v4, v13  }
0xe9: {  	v3 =	vld [tilespmem:s1+$0x100];
	v5 =	vadd.f32 v6, v5;
	v6 =	vadd.f32 v9, v7  }
0xea: {  	v4 =	vld [tilespmem:s1+$0x110];
	v7 =	vadd.f32 v1, v12;
	v9 =	vadd.f32 v2, v13  }
0xeb: {  	v13 =	vld [tilespmem:s1+$0x80];
	v5 =	vadd.f32 v8, v5;
	v6 =	vadd.f32 v10, v6  }
0xec: {  	v10 =	vld [tilespmem:s1+$0x90];
	v1 =	vmov v15  }
0xed: {  	v8 =	vld [tilespmem:s1+$0x0];
	v2 =	vmov v11  }
0xee: {  	v11 =	vld [tilespmem:s1+$0x10]  }
0xef: {  	v12 =	vld [tilespmem:s1+$0xFFFFFF80]  }
0xf0: {  	v14 =	vld [tilespmem:s1+$0xFFFFFF90]  }
0xf1: {  	v15 =	vld [tilespmem:s1+$0xFFFFFF00]  }
0xf2: {  	v16 =	vld [tilespmem:s1+$0xFFFFFF10]  }
0xf3: {  	v17 =	vld [tilespmem:s1+$0xFFFFFE80]  }
0xf4: {  	v18 =	vld [tilespmem:s1+$0xFFFFFE90]  }
0xf5: {  	v19 =	vld [tilespmem:s1+$0xFFFFFE00]  }
0xf6: {  	v20 =	vld [tilespmem:s1+$0xFFFFFE10]  }
0xf7: {  	v21 =	vld [tilespmem:s1+$0xFFFFFE20]  }
0xf8: {  	s31 =	sadd.s32 $0x8, s31;
	v22 =	vld [tilespmem:s1+$0xFFFFFE30]  }
0xf9: {  	p0 =	slt.u32 s31, $0xC0;
	v23 =	vld [tilespmem:s1+$0xFFFFFEA0]  }
0xfa: {  	v24 =	vld [tilespmem:s1+$0xFFFFFEB0]  }
0xfb: {  	v25 =	vld [tilespmem:s1+$0xFFFFFF20]  }
0xfc: {  	v7 =	vadd.f32 v19, v7;
	v9 =	vadd.f32 v20, v9;
	v19 =	vld [tilespmem:s1+$0xFFFFFF30]  }
0xfd: {  	v5 =	vadd.f32 v21, v5;
	v6 =	vadd.f32 v22, v6;
	v20 =	vld [tilespmem:s1+$0xFFFFFFA0]  }
0xfe: {  	v7 =	vadd.f32 v17, v7;
	v9 =	vadd.f32 v18, v9;
	v17 =	vld [tilespmem:s1+$0xFFFFFFB0]  }
0xff: {  	v5 =	vadd.f32 v23, v5;
	v6 =	vadd.f32 v24, v6;
	v18 =	vld [tilespmem:s1+$0x20]  }
0x100: {  	v7 =	vadd.f32 v15, v7;
	v9 =	vadd.f32 v16, v9;
	v15 =	vld [tilespmem:s1+$0x30]  }
0x101: {  	v16 =	vadd.f32 v25, v5;
	v6 =	vadd.f32 v19, v6;
	v5 =	vld [tilespmem:s1+$0xA0]  }
.Ltmp2:
0x102: {  	v12 =	vadd.f32 v12, v7;
	v9 =	vadd.f32 v14, v9;
	v7 =	vld [tilespmem:s1+$0xB0];
	(pc) =	sbr.rel @p0 .LBB2_7-.Ltmp2, $4  }
0x103: {  	v14 =	vadd.f32 v20, v16;
	v16 =	vadd.f32 v17, v6;
	v6 =	vld [tilespmem:s1+$0x120]  }
0x104: {  	v17 =	vadd.f32 v8, v12;
	v19 =	vadd.f32 v11, v9;
	v9 =	vld [tilespmem:s1+$0x130]  }
0x105: {  	v12 =	vadd.f32 v18, v14;
	v11 =	vadd.f32 v15, v16;
	v8 =	vld [tilespmem:s1+$0x1A0]  }
0x106: {  	v14 =	vadd.f32 v13, v17;
	v13 =	vadd.f32 v10, v19;
	v10 =	vld [tilespmem:s1+$0x1B0];
	s1 =	sadd.s32 $0x400, s1  }
0x107: {  	_ = 	snop  }
0x108: {  	v5 =	vadd.f32 v5, v12;
	v3 =	vadd.f32 v3, v14  }
0x109: {  	v7 =	vadd.f32 v7, v11;
	v4 =	vadd.f32 v4, v13  }
0x10a: {  	v5 =	vadd.f32 v6, v5;
	v1 =	vadd.f32 v1, v3  }
0x10b: {  	v3 =	vadd.f32 v9, v7;
	v2 =	vadd.f32 v2, v4  }
0x10c: {  	p0 =	seq.s32 s28, $0x29;
	v63 =	vadd.f32 v8, v5;
	v1 =	vmul.f32 v1, v0  }
.Ltmp3:
0x10d: {  	v3 =	vadd.f32 v10, v3;
	v2 =	vmul.f32 v2, v0;
	(pc) =	sbr.rel @p0 .LBB2_10-.Ltmp3, $4  }
0x10e: {  	[tilespmem:s30+$0x1AD00] =	vst v1;
	v1 =	vmul.f32 v63, v0  }
0x10f: {  	[tilespmem:s30+$0x1AD10] =	vst v2;
	v2 =	vmul.f32 v3, v0  }
0x110: {  	[tilespmem:s30+$0x1AD20] =	vst v1  }
0x111: {  	[tilespmem:s30+$0x1AD30] =	vst v2  }
0x112: {  	s1 =	sadd.s32 $0x5, s29  }
0x113: {  	s29 =	sshll.u32 s1, $0x8;
	s1 =	sshll.u32 s1, $0x7  }
.Ltmp4:
0x114: {  	s29 =	sand.u32 $0x1F800, s29;
	s1 =	sand.u32 $0x380, s1;
	(pc) =	sbr.rel .LBB2_2-.Ltmp4, $4  }
0x115: {  	s1 =	sor.u32 s1, s29  }
0x116: {  	[tilespmem:s19], [sflag:$0x3] =	stream.indirect.gather [hbm4b:s4+s10], $0x80, s1, s10, $0xb8;
	[tilespmem:$0x1EC80] =	vst v63  }
0x117: {  	s28 =	sadd.s32 $0x1, s28;
	s1 =	sor.u32 $0x400, s1  }
0x118: {  	[tilespmem:s21], [sflag:$0x3] =	stream.indirect.gather [hbm4b:s4+s12], $0x80, s1, s12, $0xb8;
	[tilespmem:$0x1EC80] =	vst v63  }
.LBB2_10:
0x119: {  	_ =	swait.ge [sflag:s22], $0x6400  }
0x11a: {  	[sflag:s22] =	ssyncset.done $0x0  }
0x11b: {  	s1 =	simm.s32 $0x8200;
	[sflag:s22] =	ssyncadd.s32 $0xFFFF9C00  }
0x11c: {  	v1 =	vld [tilespmem:s1+$0x180]  }
0x11d: {  	v2 =	vld [tilespmem:s1+$0x190]  }
0x11e: {  	v3 =	vld [tilespmem:s1+$0x100]  }
0x11f: {  	v4 =	vld [tilespmem:s1+$0x110]  }
0x120: {  	v10 =	vld [tilespmem:s1+$0x80]  }
0x121: {  	v13 =	vld [tilespmem:s1+$0x90]  }
0x122: {  	v8 =	vld [tilespmem:s1+$0x0]  }
0x123: {  	v9 =	vld [tilespmem:s1+$0x10]  }
0x124: {  	v6 =	vld [tilespmem:s1+$0xFFFFFF80]  }
0x125: {  	v7 =	vld [tilespmem:s1+$0xFFFFFF90]  }
0x126: {  	v5 =	vld [tilespmem:s1+$0xFFFFFF00]  }
0x127: {  	v11 =	vld [tilespmem:s1+$0xFFFFFF10]  }
0x128: {  	v12 =	vld [tilespmem:s1+$0xFFFFFE80]  }
0x129: {  	v14 =	vld [tilespmem:s1+$0xFFFFFE90]  }
0x12a: {  	v15 =	vld [tilespmem:s1+$0xFFFFFE00]  }
0x12b: {  	v16 =	vld [tilespmem:s1+$0xFFFFFE10]  }
0x12c: {  	v17 =	vld [tilespmem:s1+$0xFFFFFE20]  }
0x12d: {  	v18 =	vld [tilespmem:s1+$0xFFFFFE30]  }
0x12e: {  	v19 =	vld [tilespmem:s1+$0xFFFFFEA0]  }
0x12f: {  	v20 =	vld [tilespmem:s1+$0xFFFFFEB0]  }
0x130: {  	v21 =	vimm.f32 $0.0e+00;
	v22 =	vld [tilespmem:s1+$0xFFFFFF20]  }
0x131: {  	v23 =	vld [tilespmem:s1+$0xFFFFFF30];
	v15 =	vadd.f32 v15, v21;
	v16 =	vadd.f32 v16, v21  }
0x132: {  	v58 =	vld [tilespmem:s1+$0xFFFFFFA0];
	v17 =	vadd.f32 v17, v21;
	v18 =	vadd.f32 v18, v21  }
0x133: {  	v12 =	vadd.f32 v12, v15;
	v14 =	vadd.f32 v14, v16;
	v15 =	vld [tilespmem:s1+$0xFFFFFFB0]  }
0x134: {  	v61 =	vld [tilespmem:s1+$0x20];
	v59 =	vadd.f32 v19, v17;
	v60 =	vadd.f32 v20, v18  }
0x135: {  	v12 =	vadd.f32 v5, v12;
	v11 =	vadd.f32 v11, v14;
	v14 =	vld [tilespmem:s1+$0x30]  }
0x136: {  	v16 =	vadd.f32 v22, v59;
	v17 =	vadd.f32 v23, v60;
	v5 =	vld [tilespmem:s1+$0xA0]  }
0x137: {  	v12 =	vadd.f32 v6, v12;
	v11 =	vadd.f32 v7, v11;
	v7 =	vld [tilespmem:s1+$0xB0]  }
0x138: {  	v16 =	vadd.f32 v58, v16;
	v6 =	vld [tilespmem:s1+$0x120];
	v15 =	vadd.f32 v15, v17  }
0x139: {  	v62 =	vadd.f32 v8, v12;
	v63 =	vadd.f32 v9, v11;
	v9 =	vld [tilespmem:s1+$0x130]  }
0x13a: {  	v12 =	vadd.f32 v61, v16;
	v8 =	vld [tilespmem:s1+$0x1A0];
	v11 =	vadd.f32 v14, v15  }
0x13b: {  	s28 =	simm.s32 $0x0;
	v14 =	vadd.f32 v10, v62;
	v13 =	vadd.f32 v13, v63;
	v10 =	vld [tilespmem:s1+$0x1B0];
	s1 =	simm.s32 $0x8600  }
.LBB2_11:
0x13c: {  	v15 =	vld [tilespmem:s1+$0x180];
	v5 =	vadd.f32 v5, v12;
	v7 =	vadd.f32 v7, v11  }
0x13d: {  	v11 =	vld [tilespmem:s1+$0x190];
	v12 =	vadd.f32 v3, v14;
	v13 =	vadd.f32 v4, v13  }
0x13e: {  	v3 =	vld [tilespmem:s1+$0x100];
	v5 =	vadd.f32 v6, v5;
	v6 =	vadd.f32 v9, v7  }
0x13f: {  	v4 =	vld [tilespmem:s1+$0x110];
	v7 =	vadd.f32 v1, v12;
	v9 =	vadd.f32 v2, v13  }
0x140: {  	v13 =	vld [tilespmem:s1+$0x80];
	v5 =	vadd.f32 v8, v5;
	v6 =	vadd.f32 v10, v6  }
0x141: {  	v10 =	vld [tilespmem:s1+$0x90];
	v1 =	vmov v15  }
0x142: {  	v8 =	vld [tilespmem:s1+$0x0];
	v2 =	vmov v11  }
0x143: {  	v11 =	vld [tilespmem:s1+$0x10]  }
0x144: {  	v12 =	vld [tilespmem:s1+$0xFFFFFF80]  }
0x145: {  	v14 =	vld [tilespmem:s1+$0xFFFFFF90]  }
0x146: {  	v15 =	vld [tilespmem:s1+$0xFFFFFF00]  }
0x147: {  	v16 =	vld [tilespmem:s1+$0xFFFFFF10]  }
0x148: {  	v17 =	vld [tilespmem:s1+$0xFFFFFE80]  }
0x149: {  	v18 =	vld [tilespmem:s1+$0xFFFFFE90]  }
0x14a: {  	v19 =	vld [tilespmem:s1+$0xFFFFFE00]  }
0x14b: {  	v20 =	vld [tilespmem:s1+$0xFFFFFE10]  }
0x14c: {  	v21 =	vld [tilespmem:s1+$0xFFFFFE20]  }
0x14d: {  	s28 =	sadd.s32 $0x8, s28;
	v22 =	vld [tilespmem:s1+$0xFFFFFE30]  }
0x14e: {  	p0 =	slt.u32 s28, $0xC0;
	v23 =	vld [tilespmem:s1+$0xFFFFFEA0]  }
0x14f: {  	v24 =	vld [tilespmem:s1+$0xFFFFFEB0]  }
0x150: {  	v25 =	vld [tilespmem:s1+$0xFFFFFF20]  }
0x151: {  	v7 =	vadd.f32 v19, v7;
	v9 =	vadd.f32 v20, v9;
	v19 =	vld [tilespmem:s1+$0xFFFFFF30]  }
0x152: {  	v5 =	vadd.f32 v21, v5;
	v6 =	vadd.f32 v22, v6;
	v20 =	vld [tilespmem:s1+$0xFFFFFFA0]  }
0x153: {  	v7 =	vadd.f32 v17, v7;
	v9 =	vadd.f32 v18, v9;
	v17 =	vld [tilespmem:s1+$0xFFFFFFB0]  }
0x154: {  	v5 =	vadd.f32 v23, v5;
	v6 =	vadd.f32 v24, v6;
	v18 =	vld [tilespmem:s1+$0x20]  }
0x155: {  	v7 =	vadd.f32 v15, v7;
	v9 =	vadd.f32 v16, v9;
	v15 =	vld [tilespmem:s1+$0x30]  }
0x156: {  	v16 =	vadd.f32 v25, v5;
	v6 =	vadd.f32 v19, v6;
	v5 =	vld [tilespmem:s1+$0xA0]  }
.Ltmp5:
0x157: {  	v12 =	vadd.f32 v12, v7;
	v9 =	vadd.f32 v14, v9;
	v7 =	vld [tilespmem:s1+$0xB0];
	(pc) =	sbr.rel @p0 .LBB2_11-.Ltmp5, $4  }
0x158: {  	v14 =	vadd.f32 v20, v16;
	v16 =	vadd.f32 v17, v6;
	v6 =	vld [tilespmem:s1+$0x120]  }
0x159: {  	v17 =	vadd.f32 v8, v12;
	v19 =	vadd.f32 v11, v9;
	v9 =	vld [tilespmem:s1+$0x130]  }
0x15a: {  	v12 =	vadd.f32 v18, v14;
	v11 =	vadd.f32 v15, v16;
	v8 =	vld [tilespmem:s1+$0x1A0]  }
0x15b: {  	v14 =	vadd.f32 v13, v17;
	v13 =	vadd.f32 v10, v19;
	v10 =	vld [tilespmem:s1+$0x1B0];
	s1 =	sadd.s32 $0x400, s1  }
0x15c: {  	_ = 	snop  }
0x15d: {  	v5 =	vadd.f32 v5, v12;
	v3 =	vadd.f32 v3, v14  }
0x15e: {  	v7 =	vadd.f32 v7, v11;
	v4 =	vadd.f32 v4, v13  }
0x15f: {  	v5 =	vadd.f32 v6, v5;
	v1 =	vadd.f32 v1, v3  }
0x160: {  	v3 =	vadd.f32 v9, v7;
	v2 =	vadd.f32 v2, v4  }
0x161: {  	v4 =	vadd.f32 v8, v5;
	v1 =	vmul.f32 v1, v0  }
0x162: {  	v3 =	vadd.f32 v10, v3;
	v2 =	vmul.f32 v2, v0  }
0x163: {  	[tilespmem:$0x1EB00] =	vst v1;
	v1 =	vmul.f32 v4, v0  }
0x164: {  	[tilespmem:$0x1EB10] =	vst v2;
	v2 =	vmul.f32 v3, v0  }
0x165: {  	[tilespmem:$0x1EB20] =	vst v1  }
0x166: {  	[tilespmem:$0x1EB30] =	vst v2  }
0x167: {  	_ =	swait.ge [sflag:s23], $0x6400  }
0x168: {  	[sflag:s23] =	ssyncset.done $0x0  }
0x169: {  	s1 =	simm.s32 $0xE600;
	[sflag:s23] =	ssyncadd.s32 $0xFFFF9C00  }
0x16a: {  	v1 =	vld [tilespmem:s1+$0x180]  }
0x16b: {  	v2 =	vld [tilespmem:s1+$0x190]  }
0x16c: {  	v3 =	vld [tilespmem:s1+$0x100]  }
0x16d: {  	v4 =	vld [tilespmem:s1+$0x110]  }
0x16e: {  	v10 =	vld [tilespmem:s1+$0x80]  }
0x16f: {  	v13 =	vld [tilespmem:s1+$0x90]  }
0x170: {  	v8 =	vld [tilespmem:s1+$0x0]  }
0x171: {  	v9 =	vld [tilespmem:s1+$0x10]  }
0x172: {  	v6 =	vld [tilespmem:s1+$0xFFFFFF80]  }
0x173: {  	v7 =	vld [tilespmem:s1+$0xFFFFFF90]  }
0x174: {  	v5 =	vld [tilespmem:s1+$0xFFFFFF00]  }
0x175: {  	v11 =	vld [tilespmem:s1+$0xFFFFFF10]  }
0x176: {  	v12 =	vld [tilespmem:s1+$0xFFFFFE80]  }
0x177: {  	v14 =	vld [tilespmem:s1+$0xFFFFFE90]  }
0x178: {  	v15 =	vld [tilespmem:s1+$0xFFFFFE00]  }
0x179: {  	v16 =	vld [tilespmem:s1+$0xFFFFFE10]  }
0x17a: {  	v17 =	vld [tilespmem:s1+$0xFFFFFE20]  }
0x17b: {  	v18 =	vld [tilespmem:s1+$0xFFFFFE30]  }
0x17c: {  	v19 =	vld [tilespmem:s1+$0xFFFFFEA0]  }
0x17d: {  	v20 =	vld [tilespmem:s1+$0xFFFFFEB0]  }
0x17e: {  	v21 =	vimm.f32 $0.0e+00;
	v22 =	vld [tilespmem:s1+$0xFFFFFF20]  }
0x17f: {  	v23 =	vld [tilespmem:s1+$0xFFFFFF30];
	v15 =	vadd.f32 v15, v21;
	v16 =	vadd.f32 v16, v21  }
0x180: {  	v58 =	vld [tilespmem:s1+$0xFFFFFFA0];
	v17 =	vadd.f32 v17, v21;
	v18 =	vadd.f32 v18, v21  }
0x181: {  	v12 =	vadd.f32 v12, v15;
	v14 =	vadd.f32 v14, v16;
	v15 =	vld [tilespmem:s1+$0xFFFFFFB0]  }
0x182: {  	v61 =	vld [tilespmem:s1+$0x20];
	v59 =	vadd.f32 v19, v17;
	v60 =	vadd.f32 v20, v18  }
0x183: {  	v12 =	vadd.f32 v5, v12;
	v11 =	vadd.f32 v11, v14;
	v14 =	vld [tilespmem:s1+$0x30]  }
0x184: {  	v16 =	vadd.f32 v22, v59;
	v17 =	vadd.f32 v23, v60;
	v5 =	vld [tilespmem:s1+$0xA0]  }
0x185: {  	v12 =	vadd.f32 v6, v12;
	v11 =	vadd.f32 v7, v11;
	v7 =	vld [tilespmem:s1+$0xB0]  }
0x186: {  	v16 =	vadd.f32 v58, v16;
	v6 =	vld [tilespmem:s1+$0x120];
	v15 =	vadd.f32 v15, v17  }
0x187: {  	v62 =	vadd.f32 v8, v12;
	v63 =	vadd.f32 v9, v11;
	v9 =	vld [tilespmem:s1+$0x130]  }
0x188: {  	v12 =	vadd.f32 v61, v16;
	v8 =	vld [tilespmem:s1+$0x1A0];
	v11 =	vadd.f32 v14, v15  }
0x189: {  	s28 =	simm.s32 $0x0;
	v14 =	vadd.f32 v10, v62;
	v13 =	vadd.f32 v13, v63;
	v10 =	vld [tilespmem:s1+$0x1B0];
	s1 =	simm.s32 $0xEA00  }
.LBB2_13:
0x18a: {  	v15 =	vld [tilespmem:s1+$0x180];
	v5 =	vadd.f32 v5, v12;
	v7 =	vadd.f32 v7, v11  }
0x18b: {  	v11 =	vld [tilespmem:s1+$0x190];
	v12 =	vadd.f32 v3, v14;
	v13 =	vadd.f32 v4, v13  }
0x18c: {  	v3 =	vld [tilespmem:s1+$0x100];
	v5 =	vadd.f32 v6, v5;
	v6 =	vadd.f32 v9, v7  }
0x18d: {  	v4 =	vld [tilespmem:s1+$0x110];
	v7 =	vadd.f32 v1, v12;
	v9 =	vadd.f32 v2, v13  }
0x18e: {  	v13 =	vld [tilespmem:s1+$0x80];
	v5 =	vadd.f32 v8, v5;
	v6 =	vadd.f32 v10, v6  }
0x18f: {  	v10 =	vld [tilespmem:s1+$0x90];
	v1 =	vmov v15  }
0x190: {  	v8 =	vld [tilespmem:s1+$0x0];
	v2 =	vmov v11  }
0x191: {  	v11 =	vld [tilespmem:s1+$0x10]  }
0x192: {  	v12 =	vld [tilespmem:s1+$0xFFFFFF80]  }
0x193: {  	v14 =	vld [tilespmem:s1+$0xFFFFFF90]  }
0x194: {  	v15 =	vld [tilespmem:s1+$0xFFFFFF00]  }
0x195: {  	v16 =	vld [tilespmem:s1+$0xFFFFFF10]  }
0x196: {  	v17 =	vld [tilespmem:s1+$0xFFFFFE80]  }
0x197: {  	v18 =	vld [tilespmem:s1+$0xFFFFFE90]  }
0x198: {  	v19 =	vld [tilespmem:s1+$0xFFFFFE00]  }
0x199: {  	v20 =	vld [tilespmem:s1+$0xFFFFFE10]  }
0x19a: {  	v21 =	vld [tilespmem:s1+$0xFFFFFE20]  }
0x19b: {  	s28 =	sadd.s32 $0x8, s28;
	v22 =	vld [tilespmem:s1+$0xFFFFFE30]  }
0x19c: {  	p0 =	slt.u32 s28, $0xC0;
	v23 =	vld [tilespmem:s1+$0xFFFFFEA0]  }
0x19d: {  	v24 =	vld [tilespmem:s1+$0xFFFFFEB0]  }
0x19e: {  	v25 =	vld [tilespmem:s1+$0xFFFFFF20]  }
0x19f: {  	v7 =	vadd.f32 v19, v7;
	v9 =	vadd.f32 v20, v9;
	v19 =	vld [tilespmem:s1+$0xFFFFFF30]  }
0x1a0: {  	v5 =	vadd.f32 v21, v5;
	v6 =	vadd.f32 v22, v6;
	v20 =	vld [tilespmem:s1+$0xFFFFFFA0]  }
0x1a1: {  	v7 =	vadd.f32 v17, v7;
	v9 =	vadd.f32 v18, v9;
	v17 =	vld [tilespmem:s1+$0xFFFFFFB0]  }
0x1a2: {  	v5 =	vadd.f32 v23, v5;
	v6 =	vadd.f32 v24, v6;
	v18 =	vld [tilespmem:s1+$0x20]  }
0x1a3: {  	v7 =	vadd.f32 v15, v7;
	v9 =	vadd.f32 v16, v9;
	v15 =	vld [tilespmem:s1+$0x30]  }
0x1a4: {  	v16 =	vadd.f32 v25, v5;
	v6 =	vadd.f32 v19, v6;
	v5 =	vld [tilespmem:s1+$0xA0]  }
.Ltmp6:
0x1a5: {  	v12 =	vadd.f32 v12, v7;
	v9 =	vadd.f32 v14, v9;
	v7 =	vld [tilespmem:s1+$0xB0];
	(pc) =	sbr.rel @p0 .LBB2_13-.Ltmp6, $4  }
0x1a6: {  	v14 =	vadd.f32 v20, v16;
	v16 =	vadd.f32 v17, v6;
	v6 =	vld [tilespmem:s1+$0x120]  }
0x1a7: {  	v17 =	vadd.f32 v8, v12;
	v19 =	vadd.f32 v11, v9;
	v9 =	vld [tilespmem:s1+$0x130]  }
0x1a8: {  	v12 =	vadd.f32 v18, v14;
	v11 =	vadd.f32 v15, v16;
	v8 =	vld [tilespmem:s1+$0x1A0]  }
0x1a9: {  	v14 =	vadd.f32 v13, v17;
	v13 =	vadd.f32 v10, v19;
	v10 =	vld [tilespmem:s1+$0x1B0];
	s1 =	sadd.s32 $0x400, s1  }
0x1aa: {  	_ = 	snop  }
0x1ab: {  	v5 =	vadd.f32 v5, v12;
	v3 =	vadd.f32 v3, v14  }
0x1ac: {  	v7 =	vadd.f32 v7, v11;
	v4 =	vadd.f32 v4, v13  }
0x1ad: {  	v5 =	vadd.f32 v6, v5;
	v1 =	vadd.f32 v1, v3  }
0x1ae: {  	v60 =	vadd.f32 v9, v7;
	v2 =	vadd.f32 v2, v4  }
0x1af: {  	v61 =	vadd.f32 v8, v5;
	v1 =	vmul.f32 v1, v0  }
0x1b0: {  	v3 =	vadd.f32 v10, v60;
	v2 =	vmul.f32 v2, v0  }
0x1b1: {  	v62 =	vmul.f32 v61, v0;
	[tilespmem:$0x1EB80] =	vst v1  }
0x1b2: {  	s26 =	sadd.s32 $0x1, s26;
	v63 =	vmul.f32 v3, v0;
	[tilespmem:$0x1EB90] =	vst v2  }
0x1b3: {  	p0 =	sne.s32 s26, s7;
	[tilespmem:$0x1EBA0] =	vst v62  }
.Ltmp7:
0x1b4: {  	[tilespmem:$0x1EBB0] =	vst v63;
	(pc) =	sbr.rel @p0 .LBB2_1-.Ltmp7, $4  }
0x1b5: {  	[hbm4b:s6+s3] =	stream.linear.scatter [tilespmem:s25], [sflag:$0x4], $0x4000, $0x38;
	[tilespmem:$0x1EC80] =	vst v63  }
0x1b6: {  	_ =	swait.ge [sflag:s9], $0x4000  }
0x1b7: {  	[sflag:s9] =	ssyncset.done $0x0  }
0x1b8: {  	[sflag:s9] =	ssyncadd.s32 $0xFFFFC000  }
0x1b9: {  	_ =	sfence.sel $0x180000  }
0x1ba: {  	[bflag:$0x0] =	sbarrier.arrive $0xFFFF  }
0x1bb: {  	_ =	strace $0x90000047  }
0x1bc: {  	[bflag:$0x2] =	sbarrier.arrive $0xFFFF  }
0x1bd: {  	p0 =	sne.s32 s0, $0x0;
	s0 =	rddreg [dreg:$0x2]  }
0x1be: {  	s0 =	sadd.s32 @!p0 $0x100000, s0  }
0x1bf: {  	[sflag:s0] =	ssyncadd.tile.s32 @!p0 $0x1;
	_ =	shalt  }
.Lfunc_end2:
_tile_overlayer_lowered:
.L_overlay_start_2:
0x1c0: {  	(tag) =	ssettag $0x2  }
0x1c1: {  	s0 =	rddreg [dreg:$0x0];
	s2 =	stileid.u32  }
0x1c2: {  	s1 =	rddreg [dreg:$0x1];
	p0 =	sne.s32 s2, $0x0  }
0x1c3: {  	s3 =	rddreg [dreg:$0x2];
	[bflag:$0x3] =	sbarrier.arrive $0xFFFF;
	s2 =	simm.s32 @!p0 $0x1C04  }
0x1c4: {  	[timem:s3], [sflag:s2] =	dma.local @!p0 [hbm:s0], s1  }
0x1c5: {  	s0 =	simm.s32 @!p0 $0x4  }
0x1c6: {  	_ =	swait.ge @!p0 [sflag:s0], s1  }
0x1c7: {  	s1 =	ssub.s32 @!p0 $0x0, s1;
	[sflag:s0] =	ssyncset.done @!p0 $0x0  }
0x1c8: {  	[sflag:s0] =	ssyncadd.s32 @!p0 s1  }
0x1c9: {  	[bflag:$0x3] =	sbarrier.arrive $0xFFFF  }
0x1ca: {  	_ =	shalt  }

</sc_bundles>
